<compile_context>
chip_gen: v7x
topology: tpu7x:2x2x1
jax: 0.10.2.dev20260603
libtpu: 0.0.44.dev20260713+nightly
codegen_flags: <defaults>
</compile_context>

<pallas_src>
import functools

import jax
import jax.numpy as jnp
from jax import lax
from jax.experimental import pallas as pl
from jax.experimental.pallas import tpu as pltpu
from jax.experimental.pallas import tpu_sc as plsc

N = 10000
E = 320000
D = 128
CKV = 64
H = 4
HD = CKV // H
L = 16
NC, NS = 2, 16
NW = NC * NS
EPT = E // NW
C = 80
NCHUNK = EPT // C
NP = 10240
RPT = NP // NS
ZR = 128
AW = 128


def _proj_body(x_ref, wkv_ref, wq_ref, kv_ref, q_ref):
    x = x_ref[...]
    kv_ref[...] = jnp.dot(x, wkv_ref[...], preferred_element_type=jnp.float32)
    wq = jnp.concatenate([wq_ref[...], jnp.zeros((D, D - CKV), jnp.float32)], axis=1)
    q_ref[...] = jnp.dot(x, wq, preferred_element_type=jnp.float32)


def _edge_body(kv_hbm, q_hbm, src_hbm, dst_hbm, out_hbm,
               src_v, dst_v, kvb, qb, contrib, zbuf, acc, sem1, sem2):
    cid = lax.axis_index("c")
    sid = lax.axis_index("s")
    wid = cid * NS + sid

    @pl.loop(0, ZR)
    def _zero(r):
        for j in range(AW // L):
            zbuf[r, pl.ds(j * L, L)] = jnp.zeros((L,), jnp.float32)

    for k in range(RPT // ZR):
        pltpu.sync_copy(zbuf, acc.at[pl.ds(sid * RPT + k * ZR, ZR)])
    plsc.subcore_barrier()

    base = wid * EPT

    @pl.loop(0, NCHUNK)
    def _chunk(i):
        off = base + i * C
        c1 = pltpu.async_copy(src_hbm.at[pl.ds(off, C)], src_v, sem1)
        c2 = pltpu.async_copy(dst_hbm.at[pl.ds(off, C)], dst_v, sem2)
        c1.wait()
        c2.wait()
        g1 = pltpu.async_copy(kv_hbm.at[src_v], kvb, sem1)
        g2 = pltpu.async_copy(q_hbm.at[dst_v], qb, sem2)
        g1.wait()
        g2.wait()

        @pl.loop(0, C)
        def _edge(e):
            lane = lax.iota(jnp.int32, L)
            ewvec = jnp.zeros((L,), jnp.float32)
            for h in range(H):
                kh = kvb[e, pl.ds(CKV + h * HD, HD)]
                qh = qb[e, pl.ds(h * HD, HD)]
                s = jnp.sum(kh * qh) * 0.125
                ew = jnp.exp(jnp.full((L,), s, jnp.float32))
                vh = kvb[e, pl.ds(h * HD, HD)]
                contrib[e, pl.ds(h * HD, HD)] = ew * vh
                ewvec = jnp.where(lane == h, ew, ewvec)
            contrib[e, pl.ds(CKV, L)] = ewvec

        pltpu.sync_copy(contrib, acc.at[dst_v], add=True)

    plsc.subcore_barrier()
    pltpu.sync_copy(acc.at[pl.ds(sid * RPT, RPT)],
                    out_hbm.at[cid, pl.ds(sid * RPT, RPT)])


def _combine_body(x_ref, acc_ref, wp_ref, o_ref):
    a = acc_ref[0, :N] + acc_ref[1, :N]
    znum = a[:, :CKV]
    ssum = a[:, CKV:CKV + H]
    ssum = jnp.where(ssum == 0.0, 1.0, ssum)
    rh = lax.broadcasted_iota(jnp.int32, (H, CKV), 0)
    rc = lax.broadcasted_iota(jnp.int32, (H, CKV), 1) // HD
    expand = jnp.where(rh == rc, 1.0, 0.0)
    denom = jnp.dot(ssum, expand, preferred_element_type=jnp.float32)
    z = znum / denom
    o_ref[...] = (jnp.dot(x_ref[...], wp_ref[:D], preferred_element_type=jnp.float32)
                  + jnp.dot(z, wp_ref[D:], preferred_element_type=jnp.float32))


@functools.cache
def _edge_kernel():
    mesh = plsc.VectorSubcoreMesh(
        core_axis_name="c", subcore_axis_name="s",
        num_cores=NC, num_subcores=NS)
    return pl.kernel(
        _edge_body,
        out_type=jax.ShapeDtypeStruct((NC, NP, AW), jnp.float32),
        mesh=mesh,
        compiler_params=pltpu.CompilerParams(needs_layout_passes=False),
        scratch_types=[
            pltpu.VMEM((C,), jnp.int32),
            pltpu.VMEM((C,), jnp.int32),
            pltpu.VMEM((C, D), jnp.float32),
            pltpu.VMEM((C, D), jnp.float32),
            pltpu.VMEM((C, AW), jnp.float32),
            pltpu.VMEM((ZR, AW), jnp.float32),
            pltpu.VMEM_SHARED((NP, AW), jnp.float32),
            pltpu.SemaphoreType.DMA,
            pltpu.SemaphoreType.DMA,
        ],
    )

_proj_call = pl.pallas_call(
    _proj_body,
    out_shape=[jax.ShapeDtypeStruct((N, D), jnp.float32),
               jax.ShapeDtypeStruct((N, D), jnp.float32)],
)

_combine_call = pl.pallas_call(
    _combine_body,
    out_shape=jax.ShapeDtypeStruct((N, D), jnp.float32),
)


@jax.jit
def _impl(x, edge_index, W_kv, W_q, W_proj):
    src = edge_index[0].astype(jnp.int32)
    dst = edge_index[1].astype(jnp.int32)
    kv_t, q_t = _proj_call(x, W_kv, W_q)
    acc = _edge_kernel()(kv_t, q_t, src, dst)
    return _combine_call(x, acc, W_proj)


def kernel(x, edge_index, W_kv, W_q, W_proj):
    return _impl(x, edge_index, W_kv, W_q, W_proj)

# --- scband reference (transcript-rebuilt; emitter-appended) ---
"""Pipeline reference for scband-attention-block-se3-6433861009744 (READ-ONLY COPY).

The authoritative reference and input builder live on the scoring server;
editing this copy changes nothing except your own understanding.
"""

import jax, jax.numpy as jnp
import numpy as np

N = 10000
E = 320000
D = 128          # fiber_in degree-0 channels
CKV = 64         # value/key-query channels = fiber_out channels // channels_div
H = 4            # num_heads


def setup_inputs(seed: int = 0) -> dict:
    key = jax.random.key(seed)
    k1, k2, k3, k4, k5 = jax.random.split(key, 5)
    x = jax.random.normal(k1, (N, D), dtype=jnp.float32)
    edge_index = jax.random.randint(k2, (2, E), 0, N)
    # learned parameters (ConvSE3 / LinearSE3 degree-0 projections)
    W_kv = jax.random.normal(k3, (D, 2 * CKV), dtype=jnp.float32) / np.sqrt(D)
    W_q = jax.random.normal(k4, (D, CKV), dtype=jnp.float32) / np.sqrt(D)
    W_proj = jax.random.normal(k5, (CKV + D, D), dtype=jnp.float32) / np.sqrt(CKV + D)
    return {"x": x, "edge_index": edge_index, "W_kv": W_kv, "W_q": W_q, "W_proj": W_proj}


def reference(x, edge_index, W_kv, W_q, W_proj):
    n = x.shape[0]
    src = edge_index[0]
    dst = edge_index[1]
    hdim = CKV // H
    # to_key_value (ConvSE3, pool=False): per-edge fused key/value from source nodes
    kv = jnp.take(x, src, axis=0) @ W_kv              # [E, 2*CKV]
    value = kv[:, :CKV]                               # chunk: value first
    key_e = kv[:, CKV:]                               # then key
    # reshape to heads
    key_h = key_e.reshape(-1, H, hdim)                # [E, H, hdim]
    # to_query (LinearSE3) on nodes
    query = (x @ W_q).reshape(n, H, hdim)             # [N, H, hdim]
    # e_dot_v: per-edge dot of edge key with dst-node query, per head
    logits = jnp.einsum('ehd,ehd->eh', key_h, jnp.take(query, dst, axis=0))
    logits = logits / np.sqrt(CKV)                    # key_fiber.num_features
    # edge_softmax over incoming edges of each dst node
    seg_max = jax.ops.segment_max(logits, dst, num_segments=n)
    ew = jnp.exp(logits - jnp.take(seg_max, dst, axis=0))
    seg_sum = jax.ops.segment_sum(ew, dst, num_segments=n)
    alpha = ew / jnp.take(seg_sum, dst, axis=0)       # [E, H]
    # weighted sum of values: copy_e_sum
    v = value.reshape(-1, H, hdim)                    # [E, H, hdim]
    weighted = alpha[..., None] * v                   # [E, H, hdim]
    z = jax.ops.segment_sum(weighted, dst, num_segments=n).reshape(n, CKV)
    # aggregate_residual 'cat' + project (LinearSE3)
    z_concat = jnp.concatenate([x, z], axis=-1)       # [N, D + CKV]
    return z_concat @ W_proj                          # [N, D]

if __name__ == "__main__":
    import jax
    _d = setup_inputs()
    print(jax.jit(kernel)(*tuple(_d.values())))

</pallas_src>

<mosaic_0001>
#map = affine_map<(d0, d1) -> (0, 0)>
#map1 = affine_map<(d0, d1) -> (0)>
#map2 = affine_map<(d0, d1) -> (0, 0, 0)>
module attributes {stable_mosaic.version = 14 : i64} {
  func.func @_edge_body(%arg0: i32, %arg1: i32, %arg2: memref<10000x128xf32, #tpu.memory_space<hbm>>, %arg3: memref<10000x128xf32, #tpu.memory_space<hbm>>, %arg4: memref<320000xi32, #tpu.memory_space<hbm>>, %arg5: memref<320000xi32, #tpu.memory_space<hbm>>, %arg6: memref<2x10240x128xf32, #tpu.memory_space<hbm>>, %arg7: memref<80xi32, #tpu.memory_space<vmem>>, %arg8: memref<80xi32, #tpu.memory_space<vmem>>, %arg9: memref<80x128xf32, #tpu.memory_space<vmem>>, %arg10: memref<80x128xf32, #tpu.memory_space<vmem>>, %arg11: memref<80x128xf32, #tpu.memory_space<vmem>>, %arg12: memref<128x128xf32, #tpu.memory_space<vmem>>, %arg13: memref<10240x128xf32, #tpu.memory_space<vmem_shared>>, %arg14: memref<!tpu.dma_semaphore, #tpu.memory_space<semaphore_mem>>, %arg15: memref<!tpu.dma_semaphore, #tpu.memory_space<semaphore_mem>>) attributes {dimension_semantics = [#tpu.dimension_semantics<core_parallel>, #tpu.dimension_semantics<subcore_parallel>], iteration_bounds = array<i64: 2, 16>, scalar_prefetch = 0 : i64, scratch_operands = 9 : i64, tpu.core_type = #tpu.core_type<sc_vector_subcore>, window_params = [{transform_indices = #map}, {transform_indices = #map}, {transform_indices = #map1}, {transform_indices = #map1}, {transform_indices = #map2}]} {
    %mul3A = arith.constant 16 : i32
    %mul3A_0 = arith.muli %arg0, %mul3A : i32
    %add3A = arith.addi %mul3A_0, %arg1 : i32
    %scan3A = arith.constant 0 : i32
    %scan3A_1 = arith.constant 128 : i32
    %scan3A_2 = arith.addi %scan3A, %scan3A_1 : i32
    %scan3A_3 = arith.constant 1 : i32
    scf.for %scan3A_37 = %scan3A to %scan3A_2 step %scan3A_3  : i32 {
      %mul3A_38 = arith.constant 1 : i32
      %mul3A_39 = arith.muli %scan3A_37, %mul3A_38 : i32
      %add3A_40 = arith.constant 0 : i32
      %add3A_41 = arith.addi %add3A_40, %mul3A_39 : i32
      %broadcast_in_dim3A = arith.constant 0.000000e+00 : f32
      %broadcast_in_dim3A_42 = vector.broadcast %broadcast_in_dim3A : f32 to vector<16xf32>
      %swap3A = arith.index_cast %add3A_41 : i32 to index
      %swap3A_43 = arith.constant 0 : index
      %swap3A_44 = tpu.vector_load %arg12[%swap3A, %swap3A_43] {strides = array<i32>} : memref<128x128xf32, #tpu.memory_space<vmem>>, vector<16xf32>,
      tpu.vector_store %arg12[%swap3A, %swap3A_43], %broadcast_in_dim3A_42 {strides = array<i32>} : memref<128x128xf32, #tpu.memory_space<vmem>>, vector<16xf32>,
      %broadcast_in_dim3A_45 = arith.constant 0.000000e+00 : f32
      %broadcast_in_dim3A_46 = vector.broadcast %broadcast_in_dim3A_45 : f32 to vector<16xf32>
      %swap3A_47 = arith.index_cast %add3A_41 : i32 to index
      %swap3A_48 = arith.constant 16 : index
      %swap3A_49 = tpu.vector_load %arg12[%swap3A_47, %swap3A_48] {strides = array<i32>} : memref<128x128xf32, #tpu.memory_space<vmem>>, vector<16xf32>,
      tpu.vector_store %arg12[%swap3A_47, %swap3A_48], %broadcast_in_dim3A_46 {strides = array<i32>} : memref<128x128xf32, #tpu.memory_space<vmem>>, vector<16xf32>,
      %broadcast_in_dim3A_50 = arith.constant 0.000000e+00 : f32
      %broadcast_in_dim3A_51 = vector.broadcast %broadcast_in_dim3A_50 : f32 to vector<16xf32>
      %swap3A_52 = arith.index_cast %add3A_41 : i32 to index
      %swap3A_53 = arith.constant 32 : index
      %swap3A_54 = tpu.vector_load %arg12[%swap3A_52, %swap3A_53] {strides = array<i32>} : memref<128x128xf32, #tpu.memory_space<vmem>>, vector<16xf32>,
      tpu.vector_store %arg12[%swap3A_52, %swap3A_53], %broadcast_in_dim3A_51 {strides = array<i32>} : memref<128x128xf32, #tpu.memory_space<vmem>>, vector<16xf32>,
      %broadcast_in_dim3A_55 = arith.constant 0.000000e+00 : f32
      %broadcast_in_dim3A_56 = vector.broadcast %broadcast_in_dim3A_55 : f32 to vector<16xf32>
      %swap3A_57 = arith.index_cast %add3A_41 : i32 to index
      %swap3A_58 = arith.constant 48 : index
      %swap3A_59 = tpu.vector_load %arg12[%swap3A_57, %swap3A_58] {strides = array<i32>} : memref<128x128xf32, #tpu.memory_space<vmem>>, vector<16xf32>,
      tpu.vector_store %arg12[%swap3A_57, %swap3A_58], %broadcast_in_dim3A_56 {strides = array<i32>} : memref<128x128xf32, #tpu.memory_space<vmem>>, vector<16xf32>,
      %broadcast_in_dim3A_60 = arith.constant 0.000000e+00 : f32
      %broadcast_in_dim3A_61 = vector.broadcast %broadcast_in_dim3A_60 : f32 to vector<16xf32>
      %swap3A_62 = arith.index_cast %add3A_41 : i32 to index
      %swap3A_63 = arith.constant 64 : index
      %swap3A_64 = tpu.vector_load %arg12[%swap3A_62, %swap3A_63] {strides = array<i32>} : memref<128x128xf32, #tpu.memory_space<vmem>>, vector<16xf32>,
      tpu.vector_store %arg12[%swap3A_62, %swap3A_63], %broadcast_in_dim3A_61 {strides = array<i32>} : memref<128x128xf32, #tpu.memory_space<vmem>>, vector<16xf32>,
      %broadcast_in_dim3A_65 = arith.constant 0.000000e+00 : f32
      %broadcast_in_dim3A_66 = vector.broadcast %broadcast_in_dim3A_65 : f32 to vector<16xf32>
      %swap3A_67 = arith.index_cast %add3A_41 : i32 to index
      %swap3A_68 = arith.constant 80 : index
      %swap3A_69 = tpu.vector_load %arg12[%swap3A_67, %swap3A_68] {strides = array<i32>} : memref<128x128xf32, #tpu.memory_space<vmem>>, vector<16xf32>,
      tpu.vector_store %arg12[%swap3A_67, %swap3A_68], %broadcast_in_dim3A_66 {strides = array<i32>} : memref<128x128xf32, #tpu.memory_space<vmem>>, vector<16xf32>,
      %broadcast_in_dim3A_70 = arith.constant 0.000000e+00 : f32
      %broadcast_in_dim3A_71 = vector.broadcast %broadcast_in_dim3A_70 : f32 to vector<16xf32>
      %swap3A_72 = arith.index_cast %add3A_41 : i32 to index
      %swap3A_73 = arith.constant 96 : index
      %swap3A_74 = tpu.vector_load %arg12[%swap3A_72, %swap3A_73] {strides = array<i32>} : memref<128x128xf32, #tpu.memory_space<vmem>>, vector<16xf32>,
      tpu.vector_store %arg12[%swap3A_72, %swap3A_73], %broadcast_in_dim3A_71 {strides = array<i32>} : memref<128x128xf32, #tpu.memory_space<vmem>>, vector<16xf32>,
      %broadcast_in_dim3A_75 = arith.constant 0.000000e+00 : f32
      %broadcast_in_dim3A_76 = vector.broadcast %broadcast_in_dim3A_75 : f32 to vector<16xf32>
      %swap3A_77 = arith.index_cast %add3A_41 : i32 to index
      %swap3A_78 = arith.constant 112 : index
      %swap3A_79 = tpu.vector_load %arg12[%swap3A_77, %swap3A_78] {strides = array<i32>} : memref<128x128xf32, #tpu.memory_space<vmem>>, vector<16xf32>,
      tpu.vector_store %arg12[%swap3A_77, %swap3A_78], %broadcast_in_dim3A_76 {strides = array<i32>} : memref<128x128xf32, #tpu.memory_space<vmem>>, vector<16xf32>,
    }
    %scan3A_4 = arith.constant 128 : i32
    %mul3A_5 = arith.constant 640 : i32
    %mul3A_6 = arith.muli %arg1, %mul3A_5 : i32
    %add3A_7 = arith.constant 0 : i32
    %add3A_8 = arith.addi %mul3A_6, %add3A_7 : i32
    "tpu.region"() ({
      %run_scoped3A = tpu.sem_alloc : memref<!tpu.dma_semaphore, #tpu.memory_space<semaphore_mem>>
      %dma_start3A = arith.constant 0 : i32
      %dma_start3A_37 = tpu.memref_slice %arg13[%add3A_8, %dma_start3A] : memref<10240x128xf32, #tpu.memory_space<vmem_shared>> -> memref<128x128xf32, #tpu.memory_space<vmem_shared>>
      %dma_start3A_38 = arith.constant 0 : i32
      %dma_start3A_39 = tpu.memref_slice %arg13[%add3A_8, %dma_start3A_38] : memref<10240x128xf32, #tpu.memory_space<vmem_shared>> -> memref<128x128xf32, #tpu.memory_space<vmem_shared>>
      tpu.enqueue_dma source(%arg12 : memref<128x128xf32, #tpu.memory_space<vmem>>) target(%dma_start3A_39 : memref<128x128xf32, #tpu.memory_space<vmem_shared>>) target_semaphore(%run_scoped3A : memref<!tpu.dma_semaphore, #tpu.memory_space<semaphore_mem>>)
      %dma_wait3A = arith.constant 0 : i32
      %dma_wait3A_40 = tpu.memref_slice %arg13[%add3A_8, %dma_wait3A] : memref<10240x128xf32, #tpu.memory_space<vmem_shared>> -> memref<128x128xf32, #tpu.memory_space<vmem_shared>>
      %dma_wait3A_41 = arith.constant 0 : i32
      %dma_wait3A_42 = tpu.memref_slice %arg13[%add3A_8, %dma_wait3A_41] : memref<10240x128xf32, #tpu.memory_space<vmem_shared>> -> memref<128x128xf32, #tpu.memory_space<vmem_shared>>
      tpu.wait_dma2 semaphore(%run_scoped3A : memref<!tpu.dma_semaphore, #tpu.memory_space<semaphore_mem>>) src(%arg12 : memref<128x128xf32, #tpu.memory_space<vmem>>) dst(%dma_wait3A_42 : memref<128x128xf32, #tpu.memory_space<vmem_shared>>)
      tpu.yield
    }) : () -> ()
    %mul3A_9 = arith.constant 640 : i32
    %mul3A_10 = arith.muli %arg1, %mul3A_9 : i32
    %add3A_11 = arith.constant 128 : i32
    %add3A_12 = arith.addi %mul3A_10, %add3A_11 : i32
    "tpu.region"() ({
      %run_scoped3A = tpu.sem_alloc : memref<!tpu.dma_semaphore, #tpu.memory_space<semaphore_mem>>
      %dma_start3A = arith.constant 0 : i32
      %dma_start3A_37 = tpu.memref_slice %arg13[%add3A_12, %dma_start3A] : memref<10240x128xf32, #tpu.memory_space<vmem_shared>> -> memref<128x128xf32, #tpu.memory_space<vmem_shared>>
      %dma_start3A_38 = arith.constant 0 : i32
      %dma_start3A_39 = tpu.memref_slice %arg13[%add3A_12, %dma_start3A_38] : memref<10240x128xf32, #tpu.memory_space<vmem_shared>> -> memref<128x128xf32, #tpu.memory_space<vmem_shared>>
      tpu.enqueue_dma source(%arg12 : memref<128x128xf32, #tpu.memory_space<vmem>>) target(%dma_start3A_39 : memref<128x128xf32, #tpu.memory_space<vmem_shared>>) target_semaphore(%run_scoped3A : memref<!tpu.dma_semaphore, #tpu.memory_space<semaphore_mem>>)
      %dma_wait3A = arith.constant 0 : i32
      %dma_wait3A_40 = tpu.memref_slice %arg13[%add3A_12, %dma_wait3A] : memref<10240x128xf32, #tpu.memory_space<vmem_shared>> -> memref<128x128xf32, #tpu.memory_space<vmem_shared>>
      %dma_wait3A_41 = arith.constant 0 : i32
      %dma_wait3A_42 = tpu.memref_slice %arg13[%add3A_12, %dma_wait3A_41] : memref<10240x128xf32, #tpu.memory_space<vmem_shared>> -> memref<128x128xf32, #tpu.memory_space<vmem_shared>>
      tpu.wait_dma2 semaphore(%run_scoped3A : memref<!tpu.dma_semaphore, #tpu.memory_space<semaphore_mem>>) src(%arg12 : memref<128x128xf32, #tpu.memory_space<vmem>>) dst(%dma_wait3A_42 : memref<128x128xf32, #tpu.memory_space<vmem_shared>>)
      tpu.yield
    }) : () -> ()
    %mul3A_13 = arith.constant 640 : i32
    %mul3A_14 = arith.muli %arg1, %mul3A_13 : i32
    %add3A_15 = arith.constant 256 : i32
    %add3A_16 = arith.addi %mul3A_14, %add3A_15 : i32
    "tpu.region"() ({
      %run_scoped3A = tpu.sem_alloc : memref<!tpu.dma_semaphore, #tpu.memory_space<semaphore_mem>>
      %dma_start3A = arith.constant 0 : i32
      %dma_start3A_37 = tpu.memref_slice %arg13[%add3A_16, %dma_start3A] : memref<10240x128xf32, #tpu.memory_space<vmem_shared>> -> memref<128x128xf32, #tpu.memory_space<vmem_shared>>
      %dma_start3A_38 = arith.constant 0 : i32
      %dma_start3A_39 = tpu.memref_slice %arg13[%add3A_16, %dma_start3A_38] : memref<10240x128xf32, #tpu.memory_space<vmem_shared>> -> memref<128x128xf32, #tpu.memory_space<vmem_shared>>
      tpu.enqueue_dma source(%arg12 : memref<128x128xf32, #tpu.memory_space<vmem>>) target(%dma_start3A_39 : memref<128x128xf32, #tpu.memory_space<vmem_shared>>) target_semaphore(%run_scoped3A : memref<!tpu.dma_semaphore, #tpu.memory_space<semaphore_mem>>)
      %dma_wait3A = arith.constant 0 : i32
      %dma_wait3A_40 = tpu.memref_slice %arg13[%add3A_16, %dma_wait3A] : memref<10240x128xf32, #tpu.memory_space<vmem_shared>> -> memref<128x128xf32, #tpu.memory_space<vmem_shared>>
      %dma_wait3A_41 = arith.constant 0 : i32
      %dma_wait3A_42 = tpu.memref_slice %arg13[%add3A_16, %dma_wait3A_41] : memref<10240x128xf32, #tpu.memory_space<vmem_shared>> -> memref<128x128xf32, #tpu.memory_space<vmem_shared>>
      tpu.wait_dma2 semaphore(%run_scoped3A : memref<!tpu.dma_semaphore, #tpu.memory_space<semaphore_mem>>) src(%arg12 : memref<128x128xf32, #tpu.memory_space<vmem>>) dst(%dma_wait3A_42 : memref<128x128xf32, #tpu.memory_space<vmem_shared>>)
      tpu.yield
    }) : () -> ()
    %mul3A_17 = arith.constant 640 : i32
    %mul3A_18 = arith.muli %arg1, %mul3A_17 : i32
    %add3A_19 = arith.constant 384 : i32
    %add3A_20 = arith.addi %mul3A_18, %add3A_19 : i32
    "tpu.region"() ({
      %run_scoped3A = tpu.sem_alloc : memref<!tpu.dma_semaphore, #tpu.memory_space<semaphore_mem>>
      %dma_start3A = arith.constant 0 : i32
      %dma_start3A_37 = tpu.memref_slice %arg13[%add3A_20, %dma_start3A] : memref<10240x128xf32, #tpu.memory_space<vmem_shared>> -> memref<128x128xf32, #tpu.memory_space<vmem_shared>>
      %dma_start3A_38 = arith.constant 0 : i32
      %dma_start3A_39 = tpu.memref_slice %arg13[%add3A_20, %dma_start3A_38] : memref<10240x128xf32, #tpu.memory_space<vmem_shared>> -> memref<128x128xf32, #tpu.memory_space<vmem_shared>>
      tpu.enqueue_dma source(%arg12 : memref<128x128xf32, #tpu.memory_space<vmem>>) target(%dma_start3A_39 : memref<128x128xf32, #tpu.memory_space<vmem_shared>>) target_semaphore(%run_scoped3A : memref<!tpu.dma_semaphore, #tpu.memory_space<semaphore_mem>>)
      %dma_wait3A = arith.constant 0 : i32
      %dma_wait3A_40 = tpu.memref_slice %arg13[%add3A_20, %dma_wait3A] : memref<10240x128xf32, #tpu.memory_space<vmem_shared>> -> memref<128x128xf32, #tpu.memory_space<vmem_shared>>
      %dma_wait3A_41 = arith.constant 0 : i32
      %dma_wait3A_42 = tpu.memref_slice %arg13[%add3A_20, %dma_wait3A_41] : memref<10240x128xf32, #tpu.memory_space<vmem_shared>> -> memref<128x128xf32, #tpu.memory_space<vmem_shared>>
      tpu.wait_dma2 semaphore(%run_scoped3A : memref<!tpu.dma_semaphore, #tpu.memory_space<semaphore_mem>>) src(%arg12 : memref<128x128xf32, #tpu.memory_space<vmem>>) dst(%dma_wait3A_42 : memref<128x128xf32, #tpu.memory_space<vmem_shared>>)
      tpu.yield
    }) : () -> ()
    %mul3A_21 = arith.constant 640 : i32
    %mul3A_22 = arith.muli %arg1, %mul3A_21 : i32
    %add3A_23 = arith.constant 512 : i32
    %add3A_24 = arith.addi %mul3A_22, %add3A_23 : i32
    "tpu.region"() ({
      %run_scoped3A = tpu.sem_alloc : memref<!tpu.dma_semaphore, #tpu.memory_space<semaphore_mem>>
      %dma_start3A = arith.constant 0 : i32
      %dma_start3A_37 = tpu.memref_slice %arg13[%add3A_24, %dma_start3A] : memref<10240x128xf32, #tpu.memory_space<vmem_shared>> -> memref<128x128xf32, #tpu.memory_space<vmem_shared>>
      %dma_start3A_38 = arith.constant 0 : i32
      %dma_start3A_39 = tpu.memref_slice %arg13[%add3A_24, %dma_start3A_38] : memref<10240x128xf32, #tpu.memory_space<vmem_shared>> -> memref<128x128xf32, #tpu.memory_space<vmem_shared>>
      tpu.enqueue_dma source(%arg12 : memref<128x128xf32, #tpu.memory_space<vmem>>) target(%dma_start3A_39 : memref<128x128xf32, #tpu.memory_space<vmem_shared>>) target_semaphore(%run_scoped3A : memref<!tpu.dma_semaphore, #tpu.memory_space<semaphore_mem>>)
      %dma_wait3A = arith.constant 0 : i32
      %dma_wait3A_40 = tpu.memref_slice %arg13[%add3A_24, %dma_wait3A] : memref<10240x128xf32, #tpu.memory_space<vmem_shared>> -> memref<128x128xf32, #tpu.memory_space<vmem_shared>>
      %dma_wait3A_41 = arith.constant 0 : i32
      %dma_wait3A_42 = tpu.memref_slice %arg13[%add3A_24, %dma_wait3A_41] : memref<10240x128xf32, #tpu.memory_space<vmem_shared>> -> memref<128x128xf32, #tpu.memory_space<vmem_shared>>
      tpu.wait_dma2 semaphore(%run_scoped3A : memref<!tpu.dma_semaphore, #tpu.memory_space<semaphore_mem>>) src(%arg12 : memref<128x128xf32, #tpu.memory_space<vmem>>) dst(%dma_wait3A_42 : memref<128x128xf32, #tpu.memory_space<vmem_shared>>)
      tpu.yield
    }) : () -> ()
    %barrier3A = arith.constant 0 : index
    tpu.barrier barrier_id(%barrier3A)
    %mul3A_25 = arith.constant 10000 : i32
    %mul3A_26 = arith.muli %add3A, %mul3A_25 : i32
    %scan3A_27 = arith.constant 0 : i32
    %scan3A_28 = arith.constant 125 : i32
    %scan3A_29 = arith.addi %scan3A_27, %scan3A_28 : i32
    %scan3A_30 = arith.constant 1 : i32
    scf.for %scan3A_37 = %scan3A_27 to %scan3A_29 step %scan3A_30  : i32 {
      %mul3A_38 = arith.constant 1 : i32
      %mul3A_39 = arith.muli %scan3A_37, %mul3A_38 : i32
      %add3A_40 = arith.constant 0 : i32
      %add3A_41 = arith.addi %add3A_40, %mul3A_39 : i32
      %mul3A_42 = arith.constant 80 : i32
      %mul3A_43 = arith.muli %add3A_41, %mul3A_42 : i32
      %add3A_44 = arith.addi %mul3A_26, %mul3A_43 : i32
      %dma_start3A = tpu.memref_slice %arg4[%add3A_44] : memref<320000xi32, #tpu.memory_space<hbm>> -> memref<80xi32, #tpu.memory_space<hbm>>
      %dma_start3A_45 = tpu.memref_slice %arg4[%add3A_44] : memref<320000xi32, #tpu.memory_space<hbm>> -> memref<80xi32, #tpu.memory_space<hbm>>
      tpu.enqueue_dma source(%dma_start3A_45 : memref<80xi32, #tpu.memory_space<hbm>>) target(%arg7 : memref<80xi32, #tpu.memory_space<vmem>>) target_semaphore(%arg14 : memref<!tpu.dma_semaphore, #tpu.memory_space<semaphore_mem>>)
      %dma_start3A_46 = tpu.memref_slice %arg5[%add3A_44] : memref<320000xi32, #tpu.memory_space<hbm>> -> memref<80xi32, #tpu.memory_space<hbm>>
      %dma_start3A_47 = tpu.memref_slice %arg5[%add3A_44] : memref<320000xi32, #tpu.memory_space<hbm>> -> memref<80xi32, #tpu.memory_space<hbm>>
      tpu.enqueue_dma source(%dma_start3A_47 : memref<80xi32, #tpu.memory_space<hbm>>) target(%arg8 : memref<80xi32, #tpu.memory_space<vmem>>) target_semaphore(%arg15 : memref<!tpu.dma_semaphore, #tpu.memory_space<semaphore_mem>>)
      %dma_wait3A = tpu.memref_slice %arg4[%add3A_44] : memref<320000xi32, #tpu.memory_space<hbm>> -> memref<80xi32, #tpu.memory_space<hbm>>
      %dma_wait3A_48 = tpu.memref_slice %arg4[%add3A_44] : memref<320000xi32, #tpu.memory_space<hbm>> -> memref<80xi32, #tpu.memory_space<hbm>>
      tpu.wait_dma2 semaphore(%arg14 : memref<!tpu.dma_semaphore, #tpu.memory_space<semaphore_mem>>) src(%dma_wait3A_48 : memref<80xi32, #tpu.memory_space<hbm>>) dst(%arg7 : memref<80xi32, #tpu.memory_space<vmem>>)
      %dma_wait3A_49 = tpu.memref_slice %arg5[%add3A_44] : memref<320000xi32, #tpu.memory_space<hbm>> -> memref<80xi32, #tpu.memory_space<hbm>>
      %dma_wait3A_50 = tpu.memref_slice %arg5[%add3A_44] : memref<320000xi32, #tpu.memory_space<hbm>> -> memref<80xi32, #tpu.memory_space<hbm>>
      tpu.wait_dma2 semaphore(%arg15 : memref<!tpu.dma_semaphore, #tpu.memory_space<semaphore_mem>>) src(%dma_wait3A_50 : memref<80xi32, #tpu.memory_space<hbm>>) dst(%arg8 : memref<80xi32, #tpu.memory_space<vmem>>)
      %dma_start3A_51 = arith.constant 0 : i32
      %dma_start3A_52 = arith.constant 0 : i32
      %dma_start3A_53 = tpu.memref_slice %arg2[%dma_start3A_51, %dma_start3A_52] : memref<10000x128xf32, #tpu.memory_space<hbm>> -> memref<10000x128xf32, #tpu.memory_space<hbm>>
      tpu.enqueue_indirect_dma source(%dma_start3A_53 : memref<10000x128xf32, #tpu.memory_space<hbm>>) target(%arg9 : memref<80x128xf32, #tpu.memory_space<vmem>>) offsets(%arg7 : memref<80xi32, #tpu.memory_space<vmem>>) semaphore(%arg14 : memref<!tpu.dma_semaphore, #tpu.memory_space<semaphore_mem>>)
      %dma_start3A_54 = arith.constant 0 : i32
      %dma_start3A_55 = arith.constant 0 : i32
      %dma_start3A_56 = tpu.memref_slice %arg3[%dma_start3A_54, %dma_start3A_55] : memref<10000x128xf32, #tpu.memory_space<hbm>> -> memref<10000x128xf32, #tpu.memory_space<hbm>>
      tpu.enqueue_indirect_dma source(%dma_start3A_56 : memref<10000x128xf32, #tpu.memory_space<hbm>>) target(%arg10 : memref<80x128xf32, #tpu.memory_space<vmem>>) offsets(%arg8 : memref<80xi32, #tpu.memory_space<vmem>>) semaphore(%arg15 : memref<!tpu.dma_semaphore, #tpu.memory_space<semaphore_mem>>)
      %dma_wait3A_57 = arith.constant 0 : i32
      %dma_wait3A_58 = arith.constant 0 : i32
      %dma_wait3A_59 = tpu.memref_slice %arg2[%dma_wait3A_57, %dma_wait3A_58] : memref<10000x128xf32, #tpu.memory_space<hbm>> -> memref<10000x128xf32, #tpu.memory_space<hbm>>
      tpu.wait_indirect_dma semaphore(%arg14 : memref<!tpu.dma_semaphore, #tpu.memory_space<semaphore_mem>>) src(%dma_wait3A_59 : memref<10000x128xf32, #tpu.memory_space<hbm>>) dst(%arg9 : memref<80x128xf32, #tpu.memory_space<vmem>>)
      %dma_wait3A_60 = arith.constant 0 : i32
      %dma_wait3A_61 = arith.constant 0 : i32
      %dma_wait3A_62 = tpu.memref_slice %arg3[%dma_wait3A_60, %dma_wait3A_61] : memref<10000x128xf32, #tpu.memory_space<hbm>> -> memref<10000x128xf32, #tpu.memory_space<hbm>>
      tpu.wait_indirect_dma semaphore(%arg15 : memref<!tpu.dma_semaphore, #tpu.memory_space<semaphore_mem>>) src(%dma_wait3A_62 : memref<10000x128xf32, #tpu.memory_space<hbm>>) dst(%arg10 : memref<80x128xf32, #tpu.memory_space<vmem>>)
      %scan3A_63 = arith.constant 0 : i32
      %scan3A_64 = arith.constant 80 : i32
      %scan3A_65 = arith.addi %scan3A_63, %scan3A_64 : i32
      %scan3A_66 = arith.constant 1 : i32
      scf.for %scan3A_68 = %scan3A_63 to %scan3A_65 step %scan3A_66  : i32 {
        %mul3A_69 = arith.constant 1 : i32
        %mul3A_70 = arith.muli %scan3A_68, %mul3A_69 : i32
        %add3A_71 = arith.constant 0 : i32
        %add3A_72 = arith.addi %add3A_71, %mul3A_70 : i32
        %iota3A = tpu.iota {dimensions = array<i32: 0>} : vector<16xi32>
        %broadcast_in_dim3A = arith.constant 0.000000e+00 : f32
        %broadcast_in_dim3A_73 = vector.broadcast %broadcast_in_dim3A : f32 to vector<16xf32>
        %get3A = arith.index_cast %add3A_72 : i32 to index
        %get3A_74 = arith.constant 64 : index
        %get3A_75 = tpu.vector_load %arg9[%get3A, %get3A_74] {strides = array<i32>} : memref<80x128xf32, #tpu.memory_space<vmem>>, vector<16xf32>,
        %get3A_76 = arith.index_cast %add3A_72 : i32 to index
        %get3A_77 = arith.constant 0 : index
        %get3A_78 = tpu.vector_load %arg10[%get3A_76, %get3A_77] {strides = array<i32>} : memref<80x128xf32, #tpu.memory_space<vmem>>, vector<16xf32>,
        %mul3A_79 = arith.mulf %get3A_75, %get3A_78 : vector<16xf32>
        %reduce_sum3A = arith.constant true
        %reduce_sum3A_80 = vector.broadcast %reduce_sum3A : i1 to vector<16xi1>
        %reduce_sum3A_81 = tpu.scan <sum>, %mul3A_79 masked %reduce_sum3A_80 : vector<16xf32>, vector<16xi1> -> vector<16xf32>
        %reduce_sum3A_82 = vector.extract %reduce_sum3A_81[15] : f32 from vector<16xf32>
        %mul3A_83 = arith.constant 1.250000e-01 : f32
        %mul3A_84 = arith.mulf %reduce_sum3A_82, %mul3A_83 : f32
        %broadcast_in_dim3A_85 = vector.broadcast %mul3A_84 : f32 to vector<16xf32>
        %exp3A = math.exp %broadcast_in_dim3A_85 : vector<16xf32>
        %get3A_86 = arith.index_cast %add3A_72 : i32 to index
        %get3A_87 = arith.constant 0 : index
        %get3A_88 = tpu.vector_load %arg9[%get3A_86, %get3A_87] {strides = array<i32>} : memref<80x128xf32, #tpu.memory_space<vmem>>, vector<16xf32>,
        %mul3A_89 = arith.mulf %exp3A, %get3A_88 : vector<16xf32>
        %swap3A = arith.index_cast %add3A_72 : i32 to index
        %swap3A_90 = arith.constant 0 : index
        %swap3A_91 = tpu.vector_load %arg11[%swap3A, %swap3A_90] {strides = array<i32>} : memref<80x128xf32, #tpu.memory_space<vmem>>, vector<16xf32>,
        tpu.vector_store %arg11[%swap3A, %swap3A_90], %mul3A_89 {strides = array<i32>} : memref<80x128xf32, #tpu.memory_space<vmem>>, vector<16xf32>,
        %eq3A = arith.constant 0 : i32
        %eq3A_92 = vector.broadcast %eq3A : i32 to vector<16xi32>
        %eq3A_93 = arith.cmpi eq, %iota3A, %eq3A_92 : vector<16xi32>
        %select_n3A = arith.select %eq3A_93, %exp3A, %broadcast_in_dim3A_73 : vector<16xi1>, vector<16xf32>
        %get3A_94 = arith.index_cast %add3A_72 : i32 to index
        %get3A_95 = arith.constant 80 : index
        %get3A_96 = tpu.vector_load %arg9[%get3A_94, %get3A_95] {strides = array<i32>} : memref<80x128xf32, #tpu.memory_space<vmem>>, vector<16xf32>,
        %get3A_97 = arith.index_cast %add3A_72 : i32 to index
        %get3A_98 = arith.constant 16 : index
        %get3A_99 = tpu.vector_load %arg10[%get3A_97, %get3A_98] {strides = array<i32>} : memref<80x128xf32, #tpu.memory_space<vmem>>, vector<16xf32>,
        %mul3A_100 = arith.mulf %get3A_96, %get3A_99 : vector<16xf32>
        %reduce_sum3A_101 = arith.constant true
        %reduce_sum3A_102 = vector.broadcast %reduce_sum3A_101 : i1 to vector<16xi1>
        %reduce_sum3A_103 = tpu.scan <sum>, %mul3A_100 masked %reduce_sum3A_102 : vector<16xf32>, vector<16xi1> -> vector<16xf32>
        %reduce_sum3A_104 = vector.extract %reduce_sum3A_103[15] : f32 from vector<16xf32>
        %mul3A_105 = arith.constant 1.250000e-01 : f32
        %mul3A_106 = arith.mulf %reduce_sum3A_104, %mul3A_105 : f32
        %broadcast_in_dim3A_107 = vector.broadcast %mul3A_106 : f32 to vector<16xf32>
        %exp3A_108 = math.exp %broadcast_in_dim3A_107 : vector<16xf32>
        %get3A_109 = arith.index_cast %add3A_72 : i32 to index
        %get3A_110 = arith.constant 16 : index
        %get3A_111 = tpu.vector_load %arg9[%get3A_109, %get3A_110] {strides = array<i32>} : memref<80x128xf32, #tpu.memory_space<vmem>>, vector<16xf32>,
        %mul3A_112 = arith.mulf %exp3A_108, %get3A_111 : vector<16xf32>
        %swap3A_113 = arith.index_cast %add3A_72 : i32 to index
        %swap3A_114 = arith.constant 16 : index
        %swap3A_115 = tpu.vector_load %arg11[%swap3A_113, %swap3A_114] {strides = array<i32>} : memref<80x128xf32, #tpu.memory_space<vmem>>, vector<16xf32>,
        tpu.vector_store %arg11[%swap3A_113, %swap3A_114], %mul3A_112 {strides = array<i32>} : memref<80x128xf32, #tpu.memory_space<vmem>>, vector<16xf32>,
        %eq3A_116 = arith.constant 1 : i32
        %eq3A_117 = vector.broadcast %eq3A_116 : i32 to vector<16xi32>
        %eq3A_118 = arith.cmpi eq, %iota3A, %eq3A_117 : vector<16xi32>
        %select_n3A_119 = arith.select %eq3A_118, %exp3A_108, %select_n3A : vector<16xi1>, vector<16xf32>
        %get3A_120 = arith.index_cast %add3A_72 : i32 to index
        %get3A_121 = arith.constant 96 : index
        %get3A_122 = tpu.vector_load %arg9[%get3A_120, %get3A_121] {strides = array<i32>} : memref<80x128xf32, #tpu.memory_space<vmem>>, vector<16xf32>,
        %get3A_123 = arith.index_cast %add3A_72 : i32 to index
        %get3A_124 = arith.constant 32 : index
        %get3A_125 = tpu.vector_load %arg10[%get3A_123, %get3A_124] {strides = array<i32>} : memref<80x128xf32, #tpu.memory_space<vmem>>, vector<16xf32>,
        %mul3A_126 = arith.mulf %get3A_122, %get3A_125 : vector<16xf32>
        %reduce_sum3A_127 = arith.constant true
        %reduce_sum3A_128 = vector.broadcast %reduce_sum3A_127 : i1 to vector<16xi1>
        %reduce_sum3A_129 = tpu.scan <sum>, %mul3A_126 masked %reduce_sum3A_128 : vector<16xf32>, vector<16xi1> -> vector<16xf32>
        %reduce_sum3A_130 = vector.extract %reduce_sum3A_129[15] : f32 from vector<16xf32>
        %mul3A_131 = arith.constant 1.250000e-01 : f32
        %mul3A_132 = arith.mulf %reduce_sum3A_130, %mul3A_131 : f32
        %broadcast_in_dim3A_133 = vector.broadcast %mul3A_132 : f32 to vector<16xf32>
        %exp3A_134 = math.exp %broadcast_in_dim3A_133 : vector<16xf32>
        %get3A_135 = arith.index_cast %add3A_72 : i32 to index
        %get3A_136 = arith.constant 32 : index
        %get3A_137 = tpu.vector_load %arg9[%get3A_135, %get3A_136] {strides = array<i32>} : memref<80x128xf32, #tpu.memory_space<vmem>>, vector<16xf32>,
        %mul3A_138 = arith.mulf %exp3A_134, %get3A_137 : vector<16xf32>
        %swap3A_139 = arith.index_cast %add3A_72 : i32 to index
        %swap3A_140 = arith.constant 32 : index
        %swap3A_141 = tpu.vector_load %arg11[%swap3A_139, %swap3A_140] {strides = array<i32>} : memref<80x128xf32, #tpu.memory_space<vmem>>, vector<16xf32>,
        tpu.vector_store %arg11[%swap3A_139, %swap3A_140], %mul3A_138 {strides = array<i32>} : memref<80x128xf32, #tpu.memory_space<vmem>>, vector<16xf32>,
        %eq3A_142 = arith.constant 2 : i32
        %eq3A_143 = vector.broadcast %eq3A_142 : i32 to vector<16xi32>
        %eq3A_144 = arith.cmpi eq, %iota3A, %eq3A_143 : vector<16xi32>
        %select_n3A_145 = arith.select %eq3A_144, %exp3A_134, %select_n3A_119 : vector<16xi1>, vector<16xf32>
        %get3A_146 = arith.index_cast %add3A_72 : i32 to index
        %get3A_147 = arith.constant 112 : index
        %get3A_148 = tpu.vector_load %arg9[%get3A_146, %get3A_147] {strides = array<i32>} : memref<80x128xf32, #tpu.memory_space<vmem>>, vector<16xf32>,
        %get3A_149 = arith.index_cast %add3A_72 : i32 to index
        %get3A_150 = arith.constant 48 : index
        %get3A_151 = tpu.vector_load %arg10[%get3A_149, %get3A_150] {strides = array<i32>} : memref<80x128xf32, #tpu.memory_space<vmem>>, vector<16xf32>,
        %mul3A_152 = arith.mulf %get3A_148, %get3A_151 : vector<16xf32>
        %reduce_sum3A_153 = arith.constant true
        %reduce_sum3A_154 = vector.broadcast %reduce_sum3A_153 : i1 to vector<16xi1>
        %reduce_sum3A_155 = tpu.scan <sum>, %mul3A_152 masked %reduce_sum3A_154 : vector<16xf32>, vector<16xi1> -> vector<16xf32>
        %reduce_sum3A_156 = vector.extract %reduce_sum3A_155[15] : f32 from vector<16xf32>
        %mul3A_157 = arith.constant 1.250000e-01 : f32
        %mul3A_158 = arith.mulf %reduce_sum3A_156, %mul3A_157 : f32
        %broadcast_in_dim3A_159 = vector.broadcast %mul3A_158 : f32 to vector<16xf32>
        %exp3A_160 = math.exp %broadcast_in_dim3A_159 : vector<16xf32>
        %get3A_161 = arith.index_cast %add3A_72 : i32 to index
        %get3A_162 = arith.constant 48 : index
        %get3A_163 = tpu.vector_load %arg9[%get3A_161, %get3A_162] {strides = array<i32>} : memref<80x128xf32, #tpu.memory_space<vmem>>, vector<16xf32>,
        %mul3A_164 = arith.mulf %exp3A_160, %get3A_163 : vector<16xf32>
        %swap3A_165 = arith.index_cast %add3A_72 : i32 to index
        %swap3A_166 = arith.constant 48 : index
        %swap3A_167 = tpu.vector_load %arg11[%swap3A_165, %swap3A_166] {strides = array<i32>} : memref<80x128xf32, #tpu.memory_space<vmem>>, vector<16xf32>,
        tpu.vector_store %arg11[%swap3A_165, %swap3A_166], %mul3A_164 {strides = array<i32>} : memref<80x128xf32, #tpu.memory_space<vmem>>, vector<16xf32>,
        %eq3A_168 = arith.constant 3 : i32
        %eq3A_169 = vector.broadcast %eq3A_168 : i32 to vector<16xi32>
        %eq3A_170 = arith.cmpi eq, %iota3A, %eq3A_169 : vector<16xi32>
        %select_n3A_171 = arith.select %eq3A_170, %exp3A_160, %select_n3A_145 : vector<16xi1>, vector<16xf32>
        %swap3A_172 = arith.index_cast %add3A_72 : i32 to index
        %swap3A_173 = arith.constant 64 : index
        %swap3A_174 = tpu.vector_load %arg11[%swap3A_172, %swap3A_173] {strides = array<i32>} : memref<80x128xf32, #tpu.memory_space<vmem>>, vector<16xf32>,
        tpu.vector_store %arg11[%swap3A_172, %swap3A_173], %select_n3A_171 {strides = array<i32>} : memref<80x128xf32, #tpu.memory_space<vmem>>, vector<16xf32>,
      }
      %scan3A_67 = arith.constant 80 : i32
      "tpu.region"() ({
        %run_scoped3A = tpu.sem_alloc : memref<!tpu.dma_semaphore, #tpu.memory_space<semaphore_mem>>
        %dma_start3A_68 = arith.constant 0 : i32
        %dma_start3A_69 = arith.constant 0 : i32
        %dma_start3A_70 = tpu.memref_slice %arg13[%dma_start3A_68, %dma_start3A_69] : memref<10240x128xf32, #tpu.memory_space<vmem_shared>> -> memref<10240x128xf32, #tpu.memory_space<vmem_shared>>
        tpu.enqueue_indirect_dma source(%arg11 : memref<80x128xf32, #tpu.memory_space<vmem>>) target(%dma_start3A_70 : memref<10240x128xf32, #tpu.memory_space<vmem_shared>>) offsets(%arg8 : memref<80xi32, #tpu.memory_space<vmem>>) semaphore(%run_scoped3A : memref<!tpu.dma_semaphore, #tpu.memory_space<semaphore_mem>>) {add = true}
        %dma_wait3A_71 = arith.constant 0 : i32
        %dma_wait3A_72 = arith.constant 0 : i32
        %dma_wait3A_73 = tpu.memref_slice %arg13[%dma_wait3A_71, %dma_wait3A_72] : memref<10240x128xf32, #tpu.memory_space<vmem_shared>> -> memref<10240x128xf32, #tpu.memory_space<vmem_shared>>
        tpu.wait_indirect_dma semaphore(%run_scoped3A : memref<!tpu.dma_semaphore, #tpu.memory_space<semaphore_mem>>) src(%arg11 : memref<80x128xf32, #tpu.memory_space<vmem>>) dst(%dma_wait3A_73 : memref<10240x128xf32, #tpu.memory_space<vmem_shared>>)
        tpu.yield
      }) : () -> ()
    }
    %scan3A_31 = arith.constant 125 : i32
    %barrier3A_32 = arith.constant 0 : index
    tpu.barrier barrier_id(%barrier3A_32)
    %mul3A_33 = arith.constant 640 : i32
    %mul3A_34 = arith.muli %arg1, %mul3A_33 : i32
    %mul3A_35 = arith.constant 640 : i32
    %mul3A_36 = arith.muli %arg1, %mul3A_35 : i32
    "tpu.region"() ({
      %run_scoped3A = tpu.sem_alloc : memref<!tpu.dma_semaphore, #tpu.memory_space<semaphore_mem>>
      %dma_start3A = arith.constant 0 : i32
      %dma_start3A_37 = tpu.memref_slice %arg6[%arg0, %mul3A_36, %dma_start3A] : memref<2x10240x128xf32, #tpu.memory_space<hbm>> -> memref<1x640x128xf32, #tpu.memory_space<hbm>>
      %dma_start3A_38 = tpu.memref_squeeze %dma_start3A_37 : memref<1x640x128xf32, #tpu.memory_space<hbm>> -> memref<640x128xf32, #tpu.memory_space<hbm>>
      %dma_start3A_39 = arith.constant 0 : i32
      %dma_start3A_40 = tpu.memref_slice %arg13[%mul3A_34, %dma_start3A_39] : memref<10240x128xf32, #tpu.memory_space<vmem_shared>> -> memref<640x128xf32, #tpu.memory_space<vmem_shared>>
      tpu.enqueue_dma source(%dma_start3A_40 : memref<640x128xf32, #tpu.memory_space<vmem_shared>>) target(%dma_start3A_38 : memref<640x128xf32, #tpu.memory_space<hbm>>) target_semaphore(%run_scoped3A : memref<!tpu.dma_semaphore, #tpu.memory_space<semaphore_mem>>)
      %dma_wait3A = arith.constant 0 : i32
      %dma_wait3A_41 = tpu.memref_slice %arg6[%arg0, %mul3A_36, %dma_wait3A] : memref<2x10240x128xf32, #tpu.memory_space<hbm>> -> memref<1x640x128xf32, #tpu.memory_space<hbm>>
      %dma_wait3A_42 = tpu.memref_squeeze %dma_wait3A_41 : memref<1x640x128xf32, #tpu.memory_space<hbm>> -> memref<640x128xf32, #tpu.memory_space<hbm>>
      %dma_wait3A_43 = arith.constant 0 : i32
      %dma_wait3A_44 = tpu.memref_slice %arg13[%mul3A_34, %dma_wait3A_43] : memref<10240x128xf32, #tpu.memory_space<vmem_shared>> -> memref<640x128xf32, #tpu.memory_space<vmem_shared>>
      tpu.wait_dma2 semaphore(%run_scoped3A : memref<!tpu.dma_semaphore, #tpu.memory_space<semaphore_mem>>) src(%dma_wait3A_44 : memref<640x128xf32, #tpu.memory_space<vmem_shared>>) dst(%dma_wait3A_42 : memref<640x128xf32, #tpu.memory_space<hbm>>)
      tpu.yield
    }) : () -> ()
    return
  }
}

module attributes {stable_mosaic.version = 14 : i64} {
  func.func @_combine_body(%arg0: memref<10000x128xf32, #tpu.memory_space<vmem>>, %arg1: memref<2x10240x128xf32, #tpu.memory_space<vmem>>, %arg2: memref<192x128xf32, #tpu.memory_space<vmem>>, %arg3: memref<10000x128xf32, #tpu.memory_space<vmem>>) attributes {dimension_semantics = [], scalar_prefetch = 0 : i64, scratch_operands = 0 : i64, tpu.core_type = #tpu.core_type<tc>} {
    %get3A = arith.constant 0 : index
    %get3A_0 = arith.constant 0 : index
    %get3A_1 = arith.constant 0 : index
    %get3A_2 = vector.load %arg1[%get3A, %get3A_0, %get3A_1] : memref<2x10240x128xf32, #tpu.memory_space<vmem>>, vector<1x10000x128xf32>
    %get3A_3 = vector.shape_cast %get3A_2 : vector<1x10000x128xf32> to vector<10000x128xf32>
    %get3A_4 = arith.constant 1 : index
    %get3A_5 = arith.constant 0 : index
    %get3A_6 = arith.constant 0 : index
    %get3A_7 = vector.load %arg1[%get3A_4, %get3A_5, %get3A_6] : memref<2x10240x128xf32, #tpu.memory_space<vmem>>, vector<1x10000x128xf32>
    %get3A_8 = vector.shape_cast %get3A_7 : vector<1x10000x128xf32> to vector<10000x128xf32>
    %add3A = arith.addf %get3A_3, %get3A_8 : vector<10000x128xf32>
    %slice3A = vector.extract_strided_slice %add3A {offsets = [0, 0], sizes = [10000, 64], strides = [1, 1]} : vector<10000x128xf32> to vector<10000x64xf32>
    %slice3A_9 = vector.extract_strided_slice %add3A {offsets = [0, 64], sizes = [10000, 4], strides = [1, 1]} : vector<10000x128xf32> to vector<10000x4xf32>
    %eq3A = arith.constant 0.000000e+00 : f32
    %eq3A_10 = vector.broadcast %eq3A : f32 to vector<10000x4xf32>
    %eq3A_11 = arith.cmpf oeq, %slice3A_9, %eq3A_10 : vector<10000x4xf32>
    %jit3A = arith.constant 1.000000e+00 : f32
    %broadcast_in_dim3A = vector.broadcast %jit3A : f32 to vector<10000x4xf32>
    %select_n3A = arith.select %eq3A_11, %broadcast_in_dim3A, %slice3A_9 : vector<10000x4xi1>, vector<10000x4xf32>
    %iota3A = tpu.iota {dimensions = array<i32: 0>} : vector<4x64xi32>
    %iota3A_12 = tpu.iota {dimensions = array<i32: 1>} : vector<4x64xi32>
    %jit3A_13 = arith.constant 16 : i32
    %div3A = vector.broadcast %jit3A_13 : i32 to vector<4x64xi32>
    %div3A_14 = arith.divsi %iota3A_12, %div3A : vector<4x64xi32>
    %sign3A = arith.constant 0 : i32
    %sign3A_15 = vector.broadcast %sign3A : i32 to vector<4x64xi32>
    %sign3A_16 = arith.cmpi sgt, %iota3A_12, %sign3A_15 : vector<4x64xi32>
    %sign3A_17 = arith.extui %sign3A_16 : vector<4x64xi1> to vector<4x64xi32>
    %sign3A_18 = arith.constant 0 : i32
    %sign3A_19 = vector.broadcast %sign3A_18 : i32 to vector<4x64xi32>
    %sign3A_20 = arith.cmpi slt, %iota3A_12, %sign3A_19 : vector<4x64xi32>
    %sign3A_21 = arith.extui %sign3A_20 : vector<4x64xi1> to vector<4x64xi32>
    %sign3A_22 = arith.subi %sign3A_17, %sign3A_21 : vector<4x64xi32>
    %sign3A_23 = arith.constant 0 : i32
    %sign3A_24 = arith.cmpi sgt, %jit3A_13, %sign3A_23 : i32
    %sign3A_25 = arith.extui %sign3A_24 : i1 to i32
    %sign3A_26 = arith.constant 0 : i32
    %sign3A_27 = arith.cmpi slt, %jit3A_13, %sign3A_26 : i32
    %sign3A_28 = arith.extui %sign3A_27 : i1 to i32
    %sign3A_29 = arith.subi %sign3A_25, %sign3A_28 : i32
    %ne3A = vector.broadcast %sign3A_29 : i32 to vector<4x64xi32>
    %ne3A_30 = arith.cmpi ne, %sign3A_22, %ne3A : vector<4x64xi32>
    %rem3A = vector.broadcast %jit3A_13 : i32 to vector<4x64xi32>
    %rem3A_31 = arith.remsi %iota3A_12, %rem3A : vector<4x64xi32>
    %ne3A_32 = arith.constant 0 : i32
    %ne3A_33 = vector.broadcast %ne3A_32 : i32 to vector<4x64xi32>
    %ne3A_34 = arith.cmpi ne, %rem3A_31, %ne3A_33 : vector<4x64xi32>
    %and3A = arith.andi %ne3A_30, %ne3A_34 : vector<4x64xi1>
    %sub3A = arith.constant 1 : i32
    %sub3A_35 = vector.broadcast %sub3A : i32 to vector<4x64xi32>
    %sub3A_36 = arith.subi %div3A_14, %sub3A_35 : vector<4x64xi32>
    %select_n3A_37 = arith.select %and3A, %sub3A_36, %div3A_14 : vector<4x64xi1>, vector<4x64xi32>
    %eq3A_38 = arith.cmpi eq, %iota3A, %select_n3A_37 : vector<4x64xi32>
    %jit3A_39 = arith.constant 1.000000e+00 : f32
    %jit3A_40 = arith.constant 0.000000e+00 : f32
    %broadcast_in_dim3A_41 = vector.broadcast %jit3A_39 : f32 to vector<4x64xf32>
    %broadcast_in_dim3A_42 = vector.broadcast %jit3A_40 : f32 to vector<4x64xf32>
    %select_n3A_43 = arith.select %eq3A_38, %broadcast_in_dim3A_41, %broadcast_in_dim3A_42 : vector<4x64xi1>, vector<4x64xf32>
    %dot_general3A = arith.constant dense<0.000000e+00> : vector<10000x64xf32>
    %dot_general3A_44 = tpu.matmul %select_n3A, %select_n3A_43, %dot_general3A {dimension_numbers = #tpu.dot_dimension_numbers<[1], [0], [0], [1], [0, 0, 1, 1], [], []>, transpose_lhs_hint = false} : vector<10000x4xf32>, vector<4x64xf32>, vector<10000x64xf32> -> vector<10000x64xf32>
    %div3A_45 = arith.divf %slice3A, %dot_general3A_44 : vector<10000x64xf32>
    %get3A_46 = arith.constant 0 : index
    %get3A_47 = arith.constant 0 : index
    %get3A_48 = vector.load %arg0[%get3A_46, %get3A_47] : memref<10000x128xf32, #tpu.memory_space<vmem>>, vector<10000x128xf32>
    %get3A_49 = arith.constant 0 : index
    %get3A_50 = arith.constant 0 : index
    %get3A_51 = vector.load %arg2[%get3A_49, %get3A_50] : memref<192x128xf32, #tpu.memory_space<vmem>>, vector<128x128xf32>
    %dot_general3A_52 = arith.constant dense<0.000000e+00> : vector<10000x128xf32>
    %dot_general3A_53 = tpu.matmul %get3A_48, %get3A_51, %dot_general3A_52 {dimension_numbers = #tpu.dot_dimension_numbers<[1], [0], [0], [1], [0, 0, 1, 1], [], []>, transpose_lhs_hint = false} : vector<10000x128xf32>, vector<128x128xf32>, vector<10000x128xf32> -> vector<10000x128xf32>
    %get3A_54 = arith.constant 128 : index
    %get3A_55 = arith.constant 0 : index
    %get3A_56 = vector.load %arg2[%get3A_54, %get3A_55] : memref<192x128xf32, #tpu.memory_space<vmem>>, vector<64x128xf32>
    %dot_general3A_57 = arith.constant dense<0.000000e+00> : vector<10000x128xf32>
    %dot_general3A_58 = tpu.matmul %div3A_45, %get3A_56, %dot_general3A_57 {dimension_numbers = #tpu.dot_dimension_numbers<[1], [0], [0], [1], [0, 0, 1, 1], [], []>, transpose_lhs_hint = false} : vector<10000x64xf32>, vector<64x128xf32>, vector<10000x128xf32> -> vector<10000x128xf32>
    %add3A_59 = arith.addf %dot_general3A_53, %dot_general3A_58 : vector<10000x128xf32>
    %swap3A = arith.constant 0 : index
    %swap3A_60 = arith.constant 0 : index
    %swap3A_61 = vector.load %arg3[%swap3A, %swap3A_60] : memref<10000x128xf32, #tpu.memory_space<vmem>>, vector<10000x128xf32>
    tpu.vector_store %arg3[%swap3A, %swap3A_60], %add3A_59 {strides = array<i32>} : memref<10000x128xf32, #tpu.memory_space<vmem>>, vector<10000x128xf32>,
    return
  }
}

module attributes {stable_mosaic.version = 14 : i64} {
  func.func @_proj_body(%arg0: memref<10000x128xf32, #tpu.memory_space<vmem>>, %arg1: memref<128x128xf32, #tpu.memory_space<vmem>>, %arg2: memref<128x64xf32, #tpu.memory_space<vmem>>, %arg3: memref<10000x128xf32, #tpu.memory_space<vmem>>, %arg4: memref<10000x128xf32, #tpu.memory_space<vmem>>) attributes {dimension_semantics = [], scalar_prefetch = 0 : i64, scratch_operands = 0 : i64, tpu.core_type = #tpu.core_type<tc>} {
    %get3A = arith.constant 0 : index
    %get3A_0 = arith.constant 0 : index
    %get3A_1 = vector.load %arg0[%get3A, %get3A_0] : memref<10000x128xf32, #tpu.memory_space<vmem>>, vector<10000x128xf32>
    %get3A_2 = arith.constant 0 : index
    %get3A_3 = arith.constant 0 : index
    %get3A_4 = vector.load %arg1[%get3A_2, %get3A_3] : memref<128x128xf32, #tpu.memory_space<vmem>>, vector<128x128xf32>
    %dot_general3A = arith.constant dense<0.000000e+00> : vector<10000x128xf32>
    %dot_general3A_5 = tpu.matmul %get3A_1, %get3A_4, %dot_general3A {dimension_numbers = #tpu.dot_dimension_numbers<[1], [0], [0], [1], [0, 0, 1, 1], [], []>, transpose_lhs_hint = false} : vector<10000x128xf32>, vector<128x128xf32>, vector<10000x128xf32> -> vector<10000x128xf32>
    %swap3A = arith.constant 0 : index
    %swap3A_6 = arith.constant 0 : index
    %swap3A_7 = vector.load %arg3[%swap3A, %swap3A_6] : memref<10000x128xf32, #tpu.memory_space<vmem>>, vector<10000x128xf32>
    tpu.vector_store %arg3[%swap3A, %swap3A_6], %dot_general3A_5 {strides = array<i32>} : memref<10000x128xf32, #tpu.memory_space<vmem>>, vector<10000x128xf32>,
    %get3A_8 = arith.constant 0 : index
    %get3A_9 = arith.constant 0 : index
    %get3A_10 = vector.load %arg2[%get3A_8, %get3A_9] : memref<128x64xf32, #tpu.memory_space<vmem>>, vector<128x64xf32>
    %broadcast_in_dim3A = arith.constant 0.000000e+00 : f32
    %broadcast_in_dim3A_11 = vector.broadcast %broadcast_in_dim3A : f32 to vector<128x64xf32>
    %concatenate3A = tpu.concatenate %get3A_10, %broadcast_in_dim3A_11 in 1 : vector<128x64xf32>, vector<128x64xf32> -> vector<128x128xf32>
    %dot_general3A_12 = arith.constant dense<0.000000e+00> : vector<10000x128xf32>
    %dot_general3A_13 = tpu.matmul %get3A_1, %concatenate3A, %dot_general3A_12 {dimension_numbers = #tpu.dot_dimension_numbers<[1], [0], [0], [1], [0, 0, 1, 1], [], []>, transpose_lhs_hint = false} : vector<10000x128xf32>, vector<128x128xf32>, vector<10000x128xf32> -> vector<10000x128xf32>
    %swap3A_14 = arith.constant 0 : index
    %swap3A_15 = arith.constant 0 : index
    %swap3A_16 = vector.load %arg4[%swap3A_14, %swap3A_15] : memref<10000x128xf32, #tpu.memory_space<vmem>>, vector<10000x128xf32>
    tpu.vector_store %arg4[%swap3A_14, %swap3A_15], %dot_general3A_13 {strides = array<i32>} : memref<10000x128xf32, #tpu.memory_space<vmem>>, vector<10000x128xf32>,
    return
  }
}

</mosaic_0001>

<sc_bundles>
// kernel: _impl.5.cloned.1.call-start
scs
__scs_entry_jumppad:
0x0: {  	(pc) =	sbr.rel $0x88, $3  }
0x1: {  	(tag) =	ssettag $0x0;
	lr =	simm.s32 $0x1  }
0x2: {  	[smem:$0x3F9C] =	sst lr;
	_ =	strace $0xD0000000  }
0x3: {  	_ = 	snop  }
0x4: {  	_ = 	snop  }
0x5: {  	_ = 	snop  }
0x6: {  	_ = 	snop  }
0x7: {  	_ = 	snop  }
__scs_overlays_trampoline_lowered:
0x8: {  	[smem:$0x3FAB] =	sst s0  }
0x9: {  	[smem:$0x3FAC] =	sst s1  }
0xa: {  	[smem:$0x3FAD] =	sst s2  }
0xb: {  	[smem:$0x3FAE] =	sst s3  }
0xc: {  	[smem:$0x3FAF] =	sst s4  }
0xd: {  	[smem:$0x3FB0] =	sst s5  }
0xe: {  	[smem:$0x3FB1] =	sst s6  }
0xf: {  	[smem:$0x3FB2] =	sst s7  }
0x10: {  	[smem:$0x3FB3] =	sst s8  }
0x11: {  	[smem:$0x3FB4] =	sst s9;
	s0 =	simm.s32 @!p0 $0x0  }
0x12: {  	s1 =	sld [smem:$0x3F9A];
	s0 =	simm.s32 @p0 $0x1  }
0x13: {  	[smem:$0x3FB5] =	sst s0;
	s0 =	simm.s32 @!p1 $0x0  }
0x14: {  	s2 =	sld [smem:$0x3F99];
	s0 =	simm.s32 @p1 $0x1  }
0x15: {  	[smem:$0x3FB6] =	sst s0;
	s0 =	simm.s32 @!p2 $0x0  }
0x16: {  	s3 =	sld [smem:$0x3FDB];
	s0 =	simm.s32 @p2 $0x1  }
0x17: {  	s4 =	simm.s32 $0x1BF5;
	[smem:$0x3FB8] =	sst s0  }
0x18: {  	s0 =	sld [smem:$0x3F9B];
	_ =	swait.ge [sflag:s4], $0x0  }
0x19: {  	s7 =	sld [smem:$0x3F9C]  }
0x1a: {  	s8 =	sadd.s32 $0xFFFFE003, lr  }
0x1b: {  	s9 =	sadd.s32 $0xFFFFFEF7, lr;
	s5 =	simm.s32 $0xFFFFFFFF;
	p2 =	slt.u32 s8, $0xFFFFF086  }
0x1c: {  	p1 =	slt.u32 s9, $0xF7A;
	s5 =	simm.s32 @!p2 $0x0  }
0x1d: {  	s5 =	simm.s32 @p1 $0x1;
	p0 =	seq.s32 s7, s2  }
0x1e: {  	s7 =	smul.u32 @!p0 $0xF7A, s2;
	p2 =	seq.s32 @!p0 s5, $0x0  }
0x1f: {  	s9 =	smul.u32 $0xF7A, s1;
	s8 =	simm.s32 @!p0 $0x1BF5;
	p2 =	por !p2, p0  }
0x20: {  	[sflag:s8] =	ssyncset.s32 @!p0 $0xFFFFF086;
	s6 =	sadd.s32 @!p0 s3, s7;
	s7 =	simm.s32 @!p0 $0x108  }
0x21: {  	s3 =	sadd.s32 s3, s9;
	s6 =	sadd.s32 @!p0 $0x88, s6;
	s7 =	simm.s32 @p2 $0x1082  }
0x22: {  	[simem:s7], [sflag:s8] =	dma.local @!p0 [hbm:s6], $0xF7A  }
0x23: {  	s9 =	sor.u32 $0xD0000000, s2;
	s6 =	simm.s32 $0x108;
	_ =	swait.ge @!p0 [sflag:s8], $0x0  }
0x24: {  	s3 =	sadd.s32 $0x88, s3;
	s6 =	simm.s32 @!p1 $0x1082;
	[sflag:s4] =	ssyncset.s32 $0xFFFFF086  }
0x25: {  	[simem:s6], [sflag:s4] =	dma.local [hbm:s3], $0xF7A  }
0x26: {  	[smem:$0x3F9C] =	sst s1;
	(tag) =	ssettag s2;
	_ =	strace s9  }
0x27: {  	s1 =	sld [smem:$0x3FAC]  }
0x28: {  	s2 =	sld [smem:$0x3FAD]  }
0x29: {  	s4 =	sld [smem:$0x3FAF]  }
0x2a: {  	p0 =	seq.s32 s5, $0x0;
	s5 =	sld [smem:$0x3FB0]  }
0x2b: {  	s6 =	sld [smem:$0x3FB1]  }
0x2c: {  	s7 =	sld [smem:$0x3FB2]  }
0x2d: {  	s3 =	simm.s32 $0x108;
	s8 =	sld [smem:$0x3FB3]  }
0x2e: {  	s3 =	simm.s32 @!p0 $0x1082;
	s9 =	sld [smem:$0x3FB4]  }
0x2f: {  	lr =	sadd.s32 s0, s3;
	s0 =	sld [smem:$0x3FAB]  }
0x30: {  	s3 =	sld [smem:$0x3FAE]  }
0x31: {  	[smem:$0x3FB7] =	sst s10  }
0x32: {  	s10 =	sld [smem:$0x3FB5];
	_ =	sdelay $0x3  }
0x33: {  	p0 =	seq.s32 s10, $0x1;
	s10 =	sld [smem:$0x3FB7];
	_ =	sdelay $0x3  }
0x34: {  	[smem:$0x3FB7] =	sst s10  }
0x35: {  	s10 =	sld [smem:$0x3FB6];
	_ =	sdelay $0x3  }
0x36: {  	p1 =	seq.s32 s10, $0x1;
	s10 =	sld [smem:$0x3FB7];
	_ =	sdelay $0x3  }
0x37: {  	[smem:$0x3FB7] =	sst s10  }
0x38: {  	s10 =	sld [smem:$0x3FB8]  }
0x39: {  	_ = 	snop;
	(pc) =	sbr.ind lr, $3  }
0x3a: {  	_ = 	snop  }
0x3b: {  	_ = 	snop  }
0x3c: {  	p2 =	seq.s32 s10, $0x1;
	s10 =	sld [smem:$0x3FB7]  }
0x3d: {  	_ =	shalt  }
0x3e: {  	_ =	shalt  }
0x3f: {  	_ =	shalt  }
0x40: {  	_ =	shalt  }
0x41: {  	_ =	shalt  }
0x42: {  	_ =	shalt  }
0x43: {  	_ =	shalt  }
0x44: {  	_ =	shalt  }
0x45: {  	_ =	shalt  }
0x46: {  	_ =	shalt  }
0x47: {  	_ =	shalt  }
0x48: {  	_ =	shalt  }
0x49: {  	_ =	shalt  }
0x4a: {  	_ =	shalt  }
0x4b: {  	_ =	shalt  }
0x4c: {  	_ =	shalt  }
0x4d: {  	_ =	shalt  }
0x4e: {  	_ =	shalt  }
0x4f: {  	_ =	shalt  }
0x50: {  	_ =	shalt  }
0x51: {  	_ =	shalt  }
0x52: {  	_ =	shalt  }
0x53: {  	_ =	shalt  }
0x54: {  	_ =	shalt  }
0x55: {  	_ =	shalt  }
0x56: {  	_ =	shalt  }
0x57: {  	_ =	shalt  }
0x58: {  	_ =	shalt  }
0x59: {  	_ =	shalt  }
0x5a: {  	_ =	shalt  }
0x5b: {  	_ =	shalt  }
0x5c: {  	_ =	shalt  }
0x5d: {  	_ =	shalt  }
0x5e: {  	_ =	shalt  }
0x5f: {  	_ =	shalt  }
0x60: {  	_ =	shalt  }
0x61: {  	_ =	shalt  }
0x62: {  	_ =	shalt  }
0x63: {  	_ =	shalt  }
0x64: {  	_ =	shalt  }
0x65: {  	_ =	shalt  }
0x66: {  	_ =	shalt  }
0x67: {  	_ =	shalt  }
0x68: {  	_ =	shalt  }
0x69: {  	_ =	shalt  }
0x6a: {  	_ =	shalt  }
0x6b: {  	_ =	shalt  }
0x6c: {  	_ =	shalt  }
0x6d: {  	_ =	shalt  }
0x6e: {  	_ =	shalt  }
0x6f: {  	_ =	shalt  }
0x70: {  	_ =	shalt  }
0x71: {  	_ =	shalt  }
0x72: {  	_ =	shalt  }
0x73: {  	_ =	shalt  }
0x74: {  	_ =	shalt  }
0x75: {  	_ =	shalt  }
0x76: {  	_ =	shalt  }
0x77: {  	_ =	shalt  }
0x78: {  	_ =	shalt  }
0x79: {  	_ =	shalt  }
0x7a: {  	_ =	shalt  }
0x7b: {  	_ =	shalt  }
0x7c: {  	_ =	shalt  }
0x7d: {  	_ =	shalt  }
0x7e: {  	_ =	shalt  }
0x7f: {  	_ =	shalt  }
0x80: {  	_ =	shalt  }
0x81: {  	_ =	shalt  }
0x82: {  	_ =	shalt  }
0x83: {  	_ =	shalt  }
0x84: {  	_ =	shalt  }
0x85: {  	_ =	shalt  }
0x86: {  	_ =	shalt  }
0x87: {  	_ =	shalt  }
.Lfunc_end0:
.L_simem_size_0:
called_computation_lowered:
.L_overlay_start_0:
0x88: {  	s2 =	sld [smem:$0x3FD9]  }
0x89: {  	s3 =	sld [smem:$0x3FFE];
	_ =	sdelay $0x1  }
0x8a: {  	s1 =	srdreg.scid  }
0x8b: {  	s0 =	sand.u32 $0x1, s1  }
0x8c: {  	s17 =	sshll.u32 s0, $0xA;
	s2 =	sadd.s32 s3, s2  }
0x8d: {  	s2 =	sadd.s32 s2, s17  }
0x8e: {  	[smem:$0x3FC3] =	sst s2  }
0x8f: {  	_ = 	snop  }
0x90: {  	s2 =	sld [smem:$0x3FD0];
	(tm) =	ssettm $0x1  }
0x91: {  	s18 =	sld [smem:$0x3FFB];
	_ =	sdelay $0x3  }
0x92: {  	_ =	strace s18  }
0x93: {  	s3 =	sld [smem:$0x3FFC];
	_ =	sdelay $0x3  }
0x94: {  	_ =	strace s3  }
0x95: {  	s3 =	sld [smem:$0x3FFD];
	_ =	sdelay $0x3  }
0x96: {  	_ =	strace s3  }
0x97: {  	_ =	strace $0x8FFFFFFF  }
0x98: {  	s19 =	sld [smem:$0x3FDB];
	_ =	sdelay $0x1  }
0x99: {  	s4 =	simm.s32 $_scs_section_size  }
0x9a: {  	s5 =	simm.s32 $_size__tile_overlayer_lowered;
	s6 =	simm.s32 $_tile_overlayer_lowered  }
0x9b: {  	s22 =	simm.s32 $0x1BFF;
	s21 =	sshll.u32 s6, $0x1;
	s3 =	sadd.s32 s4, s19  }
0x9c: {  	s7 =	simm.s32 $0x0;
	s20 =	sshll.u32 s5, $0x1;
	s5 =	sadd.s32 s21, s3  }
0x9d: {  	[timem:s7], [sflag:s22] =	dma.local [hbm:s5], s20  }
0x9e: {  	_ =	swait.ge [sflag:s22], s20  }
0x9f: {  	s4 =	ssub.s32 $0x0, s20;
	[sflag:s22] =	ssyncset.done $0x0  }
0xa0: {  	[sflag:s22] =	ssyncadd.s32 s4;
	_ =	sdelay $0x1  }
0xa1: {  	s23 =	simm.s32 $0x1B8B  }
0xa2: {  	_ =	swait.ge [sflag:s23], $0x1  }
0xa3: {  	[sflag:s23] =	ssyncset.done $0x0  }
0xa4: {  	s25 =	simm.s32 $0x1B8E;
	s24 =	sld [smem:$0x3FFE];
	[sflag:s23] =	ssyncadd.s32 $0xFFFFFFFF  }
0xa5: {  	s26 =	simm.s32 $execute0_lowered;
	[smem:$0x3FD2] =	sst s25  }
0xa6: {  	s5 =	sshll.u32 s26, $0x1;
	_ =	strace $0x80000046;
	[dreg:$0x1] =	wrdreg $0xFFFFFFFF  }
0xa7: {  	s28 =	simm.s32 $_size_execute0_lowered;
	s3 =	sadd.s32 s3, s5;
	[dreg:$0x0] =	wrdreg $0x0  }
0xa8: {  	s5 =	sshll.u32 s28, $0x1;
	[dreg:$0x2] =	wrdreg s3  }
0xa9: {  	[dreg:$0x3] =	wrdreg s5  }
0xaa: {  	[dreg:$0x4] =	wrdreg $0xC0  }
0xab: {  	_ =	task [dreg:s7], $0x5FFFF  }
0xac: {  	[dreg:$0x1] =	wrdreg $0xFFFFFFFF  }
0xad: {  	[dreg:$0x0] =	wrdreg $0x60  }
0xae: {  	[dreg:$0x2] =	wrdreg s2  }
0xaf: {  	[dreg:$0x3] =	wrdreg s24  }
0xb0: {  	[dreg:$0x4] =	wrdreg $0xB9000  }
0xb1: {  	[dreg:$0x5] =	wrdreg $0x9  }
0xb2: {  	_ =	task.clear_ibuf [dreg:s7], $0x6FFFF;
	_ =	strace $0x90000046  }
0xb3: {  	s29 =	simm.s32 $0x9;
	_ =	strace $0x80000048  }
0xb4: {  	_ =	swait.ge [sflag:s29], $0x1  }
0xb5: {  	[sflag:s29] =	ssyncadd.s32 $0xFFFFFFFF  }
0xb6: {  	_ =	strace $0x90000048  }
0xb7: {  	_ =	sfence  }
0xb8: {  	s30 =	sld [smem:$0x0];
	_ =	sdelay $0x2  }
0xb9: {  	s31 =	sshll.u32 s1, $0xD;
	s1 =	sshrl.u32 s1, $0x2  }
0xba: {  	s3 =	sand.u32 $0x4000, s31;
	s1 =	sadd.s32 s1, s30  }
0xbb: {  	s0 =	sor.u32 s3, s0;
	s1 =	sshll.u32 s1, $0x11  }
0xbc: {  	s0 =	sor.u32 s1, s0  }
0xbd: {  	s0 =	sadd.s32 $0x8F2B, s0  }
0xbe: {  	[sflag:s0] =	ssyncadd.remote.s32 $0x1  }
0xbf: {  	_ =	sfence.sel $0xFFFF  }
0xc0: {  	[dreg:$0x0] =	wrdreg $0xFFFFFFFF;
	(pc) =	sbr.abs _section_cstart, $3  }
0xc1: {  	[dreg:$0x1] =	wrdreg $0xFFFFFFFF  }
0xc2: {  	_ =	task.clear_ibuf [dreg:s7], $0x2FFFF;
	_ =	strace $0x9FFFFFFF  }
0xc3: {  	(tm) =	ssettm $0x7FFFFFFF  }
tec
execute0_lowered:
.L_overlay_start_1:
0x0: {  	(tag) =	ssettag $0x1  }
0x1: {  	s1 =	rddreg [dreg:$0x0]  }
0x2: {  	s0 =	rddreg [dreg:$0x1]  }
0x3: {  	s2 =	rddreg [dreg:$0x2]  }
0x4: {  	s3 =	srdreg.scid;
	s4 =	simm.s32 $0x0;
	s11 =	stileid.u32  }
0x5: {  	s16 =	simm.s32 $0x7900;
	s17 =	simm.s32 $0x3;
	s18 =	simm.s32 $0x80  }
0x6: {  	s19 =	simm.s32 $0x1;
	s20 =	simm.s32 $0x2;
	s21 =	simm.s32 $0x50  }
0x7: {  	s22 =	simm.s32 $0x100;
	s23 =	simm.s32 $0x2900;
	s7 =	smul.u32 $0x14000, s11  }
0x8: {  	s24 =	simm.s32 $0x5100;
	s3 =	sand.u32 $0x1, s3;
	s9 =	smul.u32 $0x50000, s11  }
0x9: {  	s25 =	simm.s32 $0x0;
	[smem:$0x7FF] =	sst s4;
	s6 =	smul.u32 $0x140000, s3  }
0xa: {  	s5 =	sadd.s32 $0x14600, s0;
	_ =	strace $0x80000047;
	s10 =	ssub.s32 $0x2, s3  }
0xb: {  	s3 =	sshll.u32 s3, $0x4;
	s26 =	sshrl.u32 s9, $0x2;
	s8 =	sadd.s32 s7, s6  }
0xc: {  	s28 =	sshrl.u32 s10, $0x1;
	s6 =	sadd.s32 $0xA800, s0;
	s8 =	sshrl.u32 s8, $0x3  }
0xd: {  	s7 =	sadd.s32 $0xA00, s0;
	s0 =	sadd.s32 s8, s0;
	s8 =	sadd.s32 s26, s2  }
0xe: {  	s3 =	sor.u32 s11, s3;
	s9 =	ssub.s32 s10, s28;
	s29 =	sadd.s32 $0x4000, s8  }
0xf: {  	s13 =	smul.u32 $0x2710, s3;
	s30 =	sadd.s32 $0x8000, s8;
	[dreg:$0x4] =	wrdreg s29  }
0x10: {  	v0 =	vimm.f32 $0.0e+00;
	vm0 =	vmmov $0x1;
	s15 =	smax.u32 s9, $0x1;
	s31 =	sadd.s32 $0xC000, s8;
	[dreg:$0x5] =	wrdreg s30  }
0x11: {  	vm1 =	vcmask $0x310;
	vm2 =	vcmask $0x710;
	vm3 =	vcmask $0xB10;
	s12 =	sadd.s32 $0x10000, s8;
	s14 =	sadd.s32 $0x3B800, s0;
	[dreg:$0x6] =	wrdreg s31  }
.LBB2_1:
0x12: {  	s0 =	simm.s32 $0x0;
	s3 =	simm.s32 $0x200  }
.LBB2_2:
0x13: {  	p0 =	sne.s32 s3, $0xFE00;
	[tilespmem:s0+$0x7970] =	vst v0  }
0x14: {  	[tilespmem:s0+$0x7900] =	vst v0  }
0x15: {  	[tilespmem:s0+$0x7910] =	vst v0  }
.Ltmp0:
0x16: {  	[tilespmem:s0+$0x7920] =	vst v0;
	(pc) =	sbr.rel @p0 .LBB2_2-.Ltmp0, $4  }
0x17: {  	[tilespmem:s0+$0x7930] =	vst v0  }
0x18: {  	[tilespmem:s0+$0x7940] =	vst v0  }
0x19: {  	[tilespmem:s0+$0x7950] =	vst v0  }
0x1a: {  	[tilespmem:s0+$0x7960] =	vst v0;
	s0 =	sshra.s32 s3, $0x2;
	s3 =	sadd.s32 $0x200, s3  }
0x1b: {  	[tilespmem:s0+$0x7970] =	vst v0  }
0x1c: {  	[tilespmem:s0+$0x7900] =	vst v0  }
0x1d: {  	[tilespmem:s0+$0x7910] =	vst v0  }
0x1e: {  	[tilespmem:s0+$0x7920] =	vst v0  }
0x1f: {  	[tilespmem:s0+$0x7930] =	vst v0  }
0x20: {  	[tilespmem:s0+$0x7940] =	vst v0  }
0x21: {  	[tilespmem:s0+$0x7950] =	vst v0  }
0x22: {  	[tilespmem:s0+$0x7960] =	vst v0  }
0x23: {  	[spmem:s8] =	stream.linear.scatter [tilespmem:s16], [sflag:$0x3], $0x4000, $0x38;
	[tilespmem:$0x1F900] =	vst v63  }
0x24: {  	_ =	swait.ge [sflag:s17], $0x4000  }
0x25: {  	[sflag:s17] =	ssyncset.done $0x0  }
0x26: {  	s29 =	rddreg [dreg:$0x4];
	[sflag:s17] =	ssyncadd.s32 $0xFFFFC000  }
0x27: {  	[spmem:s29] =	stream.linear.scatter [tilespmem:s16], [sflag:$0x3], $0x4000, $0x38;
	[tilespmem:$0x1F900] =	vst v63  }
0x28: {  	_ =	swait.ge [sflag:s17], $0x4000  }
0x29: {  	[sflag:s17] =	ssyncset.done $0x0  }
0x2a: {  	s30 =	rddreg [dreg:$0x5];
	[sflag:s17] =	ssyncadd.s32 $0xFFFFC000  }
0x2b: {  	[spmem:s30] =	stream.linear.scatter [tilespmem:s16], [sflag:$0x3], $0x4000, $0x38;
	[tilespmem:$0x1F900] =	vst v63  }
0x2c: {  	_ =	swait.ge [sflag:s17], $0x4000  }
0x2d: {  	[sflag:s17] =	ssyncset.done $0x0  }
0x2e: {  	s31 =	rddreg [dreg:$0x6];
	[sflag:s17] =	ssyncadd.s32 $0xFFFFC000  }
0x2f: {  	[spmem:s31] =	stream.linear.scatter [tilespmem:s16], [sflag:$0x3], $0x4000, $0x38;
	[tilespmem:$0x1F900] =	vst v63  }
0x30: {  	_ =	swait.ge [sflag:s17], $0x4000  }
0x31: {  	[sflag:s17] =	ssyncset.done $0x0  }
0x32: {  	[sflag:s17] =	ssyncadd.s32 $0xFFFFC000  }
0x33: {  	[spmem:s12] =	stream.linear.scatter [tilespmem:s16], [sflag:$0x3], $0x4000, $0x38;
	[tilespmem:$0x1F900] =	vst v63  }
0x34: {  	_ =	swait.ge [sflag:s17], $0x4000  }
0x35: {  	[sflag:s17] =	ssyncset.done $0x0  }
0x36: {  	[sflag:s17] =	ssyncadd.s32 $0xFFFFC000  }
0x37: {  	s26 =	simm.s32 $0x0;
	[bflag:$0x0] =	sbarrier.arrive $0xFFFF  }
.LBB2_4:
0x38: {  	s0 =	smul.u32 $0x50, s26;
	_ =	sdelay $0x1  }
0x39: {  	s0 =	sadd.s32 s13, s0  }
0x3a: {  	s0 =	sshrl.u32 s0, $0x3  }
0x3b: {  	s3 =	sadd.s32 s6, s0  }
0x3c: {  	[tilespmem:s25], [sflag:$0x1] =	stream.linear.gather [hbm4b:s3+s25], $0x50, $0x38;
	[tilespmem:$0x1F900] =	vst v63  }
0x3d: {  	s0 =	sadd.s32 s7, s0  }
0x3e: {  	[tilespmem:s18], [sflag:$0x2] =	stream.linear.gather [hbm4b:s0+s25], $0x50, $0x38;
	[tilespmem:$0x1F900] =	vst v63  }
0x3f: {  	_ =	swait.ge [sflag:s19], $0x50  }
0x40: {  	[sflag:s19] =	ssyncset.done $0x0  }
0x41: {  	[sflag:s19] =	ssyncadd.s32 $0xFFFFFFB0  }
0x42: {  	_ =	swait.ge [sflag:s20], $0x50  }
0x43: {  	[sflag:s20] =	ssyncset.done $0x0  }
0x44: {  	[sflag:s20] =	ssyncadd.s32 $0xFFFFFFB0  }
0x45: {  	[tilespmem:s22], [sflag:$0x1] =	stream.indirect.gather [hbm4b:s1+s21], $0x80, s25, s21, $0xb8;
	[tilespmem:$0x1F900] =	vst v63  }
0x46: {  	_ = 	snop  }
0x47: {  	[tilespmem:s23], [sflag:$0x2] =	stream.indirect.gather [hbm4b:s5+s21], $0x80, s18, s21, $0xb8;
	[tilespmem:$0x1F900] =	vst v63  }
0x48: {  	_ =	swait.ge [sflag:s19], $0x2800  }
0x49: {  	[sflag:s19] =	ssyncset.done $0x0  }
0x4a: {  	[sflag:s19] =	ssyncadd.s32 $0xFFFFD800  }
0x4b: {  	_ =	swait.ge [sflag:s20], $0x2800  }
0x4c: {  	[sflag:s20] =	ssyncset.done $0x0  }
0x4d: {  	s0 =	simm.s32 $0x0;
	[sflag:s20] =	ssyncadd.s32 $0xFFFFD800  }
0x4e: {  	v1 =	vld [tilespmem:s0+$0x140]  }
0x4f: {  	v2 =	vld [tilespmem:s0+$0x2900]  }
0x50: {  	v3 =	vld [tilespmem:s0+$0x150]  }
0x51: {  	v4 =	vld [tilespmem:s0+$0x2910];
	_ =	sdelay $0x2  }
0x52: {  	v1 =	vmul.f32 v2, v1  }
0x53: {  	v5 =	vld [tilespmem:s0+$0x160]  }
0x54: {  	v2 =	vld [tilespmem:s0+$0x2920];
	v3 =	vmul.f32 v4, v3;
	(xrf2) =	vadd.scan.msk.f32 $0xffff, v1  }
0x55: {  	v4 =	vld [tilespmem:s0+$0x170]  }
0x56: {  	v1 =	vld [tilespmem:s0+$0x2930];
	(xrf2) =	vadd.scan.msk.f32 $0xffff, v3;
	_ =	sdelay $0x2  }
0x57: {  	s30 =	simm.s32 $0x80  }
0x58: {  	v3 =	vld [tilespmem:s30+$0x140]  }
0x59: {  	v2 =	vmul.f32 v2, v5;
	v1 =	vmul.f32 v1, v4;
	v4 =	vld [tilespmem:s30+$0x2900]  }
0x5a: {  	v5 =	vld [tilespmem:s30+$0x2910]  }
0x5b: {  	(xrf2) =	vadd.scan.msk.f32 $0xffff, v2;
	v2 =	vld [tilespmem:s30+$0x150]  }
0x5c: {  	v7 =	vld [tilespmem:s30+$0x2920];
	(xrf2) =	vadd.scan.msk.f32 $0xffff, v1;
	v6, _, _ =	vpop (xrf2)  }
0x5d: {  	v1 =	vld [tilespmem:s30+$0x160];
	(v2sf) =	vpush v6, $0xF  }
0x5e: {  	v3 =	vmul.f32 v4, v3;
	v4 =	vld [tilespmem:s30+$0x170];
	v6, _, _ =	vpop (xrf2)  }
0x5f: {  	(v2sf) =	vpush v6, $0xF;
	v6 =	vld [tilespmem:s30+$0x2930]  }
0x60: {  	v2 =	vmul.f32 v5, v2  }
0x61: {  	(xrf2) =	vadd.scan.msk.f32 $0xffff, v3  }
0x62: {  	s28 =	simm.s32 $0x100;
	(xrf2) =	vadd.scan.msk.f32 $0xffff, v2  }
0x63: {  	v5 =	vld [tilespmem:s28+$0x2900];
	v1 =	vmul.f32 v7, v1  }
0x64: {  	v2 =	vld [tilespmem:s28+$0x140];
	v4 =	vmul.f32 v6, v4  }
0x65: {  	v3, _, _ =	vpop (xrf2);
	(xrf2) =	vadd.scan.msk.f32 $0xffff, v1  }
0x66: {  	v1 =	vld [tilespmem:s28+$0x150];
	(v2sf) =	vpush v3, $0xF;
	v3, _, _ =	vpop (xrf2);
	(xrf2) =	vadd.scan.msk.f32 $0xffff, v4  }
0x67: {  	(v2sf) =	vpush v3, $0xF;
	v3 =	vld [tilespmem:s28+$0x2910];
	_ =	sdelay $0x1  }
0x68: {  	v2 =	vmul.f32 v5, v2;
	_ =	sdelay $0x1  }
0x69: {  	v4, _, _ =	vpop (xrf2);
	(xrf2) =	vadd.scan.msk.f32 $0xffff, v2;
	v2 =	vld [tilespmem:s28+$0x160]  }
0x6a: {  	s29 =	simm.s32 $0x180;
	(v2sf) =	vpush v4, $0xF;
	v1 =	vmul.f32 v3, v1;
	v3, _, _ =	vpop (xrf2);
	v4 =	vld [tilespmem:s28+$0x2920];
	s9 =	spop (v2sf)  }
0x6b: {  	v8 =	vld [tilespmem:s29+$0x2900];
	(v2sf) =	vpush v3, $0xF;
	s3 =	smul.f32 $1.250000000e-01, s9  }
0x6c: {  	(xrf2) =	vadd.scan.msk.f32 $0xffff, v1;
	v1 =	vld [tilespmem:s28+$0x2930];
	s9 =	spop (v2sf)  }
0x6d: {  	v5, _, _ =	vpop (xrf2);
	v3 =	vld [tilespmem:s28+$0x170];
	s9 =	smul.f32 $1.250000000e-01, s9;
	v6 =	vmov s3  }
0x6e: {  	v7 =	vld [tilespmem:s29+$0x140];
	(v2sf) =	vpush v5, $0xF;
	v5, _, _ =	vpop (xrf2);
	v6 =	vmul.f32 $1.442695020e+00, v6  }
0x6f: {  	v2 =	vmul.f32 v4, v2;
	v9 =	vmov s9;
	(v2sf) =	vpush v5, $0xF  }
0x70: {  	v5 =	vmul.f32 $1.442695020e+00, v9;
	v6 =	vbroadcast v6, $0x0  }
0x71: {  	v10 =	vld [tilespmem:s29+$0x150];
	(xrf2) =	vadd.scan.msk.f32 $0xffff, v2  }
0x72: {  	v9 =	vld [tilespmem:s29+$0x2910];
	v1 =	vmul.f32 v1, v3;
	v5 =	vbroadcast v5, $0x0  }
0x73: {  	v2 =	vmul.f32 v8, v7;
	(erf) = vpow2.f32 v6  }
0x74: {  	v4 =	vld [tilespmem:s29+$0x160];
	s10 =	spop (v2sf);
	(xrf2) =	vadd.scan.msk.f32 $0xffff, v1;
	(erf) = vpow2.f32 v5;
	v6, _, _ =	vpop (xrf2)  }
0x75: {  	v7 =	vld [tilespmem:s29+$0x170];
	s3 =	smul.f32 $1.250000000e-01, s10;
	s11 =	spop (v2sf);
	(v2sf) =	vpush v6, $0xF  }
0x76: {  	v3 =	vld [tilespmem:s29+$0x2920];
	s9 =	smul.f32 $1.250000000e-01, s11  }
0x77: {  	v1 =	vld [tilespmem:s29+$0x2930];
	v5 =	vmov s3;
	(xrf2) =	vadd.scan.msk.f32 $0xffff, v2;
	v8 =	vmul.f32 v9, v10;
	v2, _, _ =	vpop (xrf2)  }
0x78: {  	v6 =	vmov s9;
	(v2sf) =	vpush v2, $0xF;
	v2 =	vmul.f32 $1.442695020e+00, v5  }
0x79: {  	v5 =	vld [tilespmem:s0+$0x110];
	v6 =	vmul.f32 $1.442695020e+00, v6;
	s10 =	spop (v2sf)  }
0x7a: {  	s31 =	simm.s32 $0x200;
	v9 =	vld [tilespmem:s0+$0x100];
	(xrf2) =	vadd.scan.msk.f32 $0xffff, v8;
	s3 =	smul.f32 $1.250000000e-01, s10;
	v2 =	vbroadcast v2, $0x0;
	s11 =	spop (v2sf)  }
0x7b: {  	v3 =	vmul.f32 v3, v4;
	v4 =	vbroadcast v6, $0x0;
	v6 =	vld [tilespmem:s31+$0x140];
	v14, _, _ =	vpop (xrf2);
	s9 =	smul.f32 $1.250000000e-01, s11  }
0x7c: {  	v1 =	vmul.f32 v1, v7;
	v8 =	vmov s3;
	(erf) = vpow2.f32 v2;
	v2 =	vld [tilespmem:s31+$0x2900];
	v11 =	vpop (erf)  }
0x7d: {  	v13 =	vld [tilespmem:s31+$0x2910];
	(xrf2) =	vadd.scan.msk.f32 $0xffff, v3;
	s10 =	spop (v2sf);
	(erf) = vpow2.f32 v4;
	v4 =	vmul.f32 $1.442695020e+00, v8;
	v8 =	vmov s9;
	v12 =	vpop (erf)  }
0x7e: {  	v16 =	vld [tilespmem:s31+$0x160];
	(v2sf) =	vpush v14, $0xF;
	v7, _, _ =	vpop (xrf2);
	v8 =	vmul.f32 $1.442695020e+00, v8;
	v5 =	vmul.f32 v12, v5;
	s11 =	spop (v2sf)  }
0x7f: {  	v3 =	vld [tilespmem:s31+$0x150];
	(v2sf) =	vpush v7, $0xF;
	v4 =	vbroadcast v4, $0x0;
	s9 =	smul.f32 $1.250000000e-01, s11  }
0x80: {  	v14 =	vld [tilespmem:s31+$0x2920];
	v7 =	vmul.f32 v11, v9;
	v8 =	vbroadcast v8, $0x0  }
0x81: {  	v10 =	vld [tilespmem:s0+$0x120];
	(xrf2) =	vadd.scan.msk.f32 $0xffff, v1;
	(erf) = vpow2.f32 v4;
	v2 =	vmul.f32 v2, v6;
	v6 =	vmov s9  }
0x82: {  	v15 =	vld [tilespmem:s0+$0x130];
	s3 =	smul.f32 $1.250000000e-01, s10;
	[tilespmem:s0+$0x5110] =	vst v5;
	v5, _, _ =	vpop (xrf2);
	v9 =	vmul.f32 $1.442695020e+00, v6;
	v6 =	vnsel vm0, $0x0, v11  }
0x83: {  	v4 =	vld [tilespmem:s31+$0x170];
	[tilespmem:s0+$0x5100] =	vst v7;
	(erf) = vpow2.f32 v8;
	(v2sf) =	vpush v5, $0xF  }
0x84: {  	v13 =	vmul.f32 v13, v3;
	v8 =	vld [tilespmem:s31+$0x2930];
	v5 =	vmov s3;
	v3, _, _ =	vpop (xrf2);
	s10 =	spop (v2sf)  }
0x85: {  	v1 =	vld [tilespmem:s30+$0x130];
	(xrf2) =	vadd.scan.msk.f32 $0xffff, v2;
	v11 =	vmul.f32 v14, v16;
	v17 =	vmul.f32 $1.442695020e+00, v5;
	v5 =	vsel vm1, v6, v12;
	v6 =	vpop (erf);
	s11 =	smul.f32 $1.250000000e-01, s10  }
0x86: {  	v2 =	vld [tilespmem:s30+$0x100];
	(v2sf) =	vpush v3, $0xF;
	v7 =	vmul.f32 v6, v10;
	v5 =	vsel vm2, v5, v6;
	v6 =	vpop (erf)  }
0x87: {  	s3 =	simm.s32 $0xA00;
	(xrf2) =	vadd.scan.msk.f32 $0xffff, v13;
	v3 =	vld [tilespmem:s30+$0x110];
	v12, _, _ =	vpop (xrf2);
	s10 =	spop (v2sf);
	v14 =	vbroadcast v17, $0x0;
	v10 =	vmul.f32 v6, v15;
	v13 =	vmov s11  }
.LBB2_5:
0x88: {  	s9 =	smov.u32 s3  }
0x89: {  	s11 =	sshra.s32 s3, $0x2;
	v4 =	vmul.f32 v8, v4;
	s10 =	smul.f32 $1.250000000e-01, s10;
	v15 =	vld [tilespmem:s30+$0x120];
	v8 =	vbroadcast v9, $0x0;
	[tilespmem:s0+$0x5120] =	vst v7;
	v5 =	vsel vm3, v5, v6;
	s9 =	sadd.s32 $0x200, s3  }
0x8a: {  	p0 =	sne.s32 s3, $0x9E00;
	v7 =	vmul.f32 $1.442695020e+00, v13;
	v6 =	vld [tilespmem:s11+$0x140];
	v13 =	vpop (erf);
	(erf) = vpow2.f32 v14;
	[tilespmem:s0+$0x5130] =	vst v10  }
0x8b: {  	v9 =	vld [tilespmem:s11+$0x2900];
	(xrf2) =	vadd.scan.msk.f32 $0xffff, v11;
	(v2sf) =	vpush v12, $0xF;
	v10, _, _ =	vpop (xrf2);
	v11 =	vmov s10;
	(erf) = vpow2.f32 v8  }
0x8c: {  	v7 =	vbroadcast v7, $0x0;
	v12 =	vld [tilespmem:s11+$0x150];
	(v2sf) =	vpush v10, $0xF;
	v14 =	vmul.f32 $1.442695020e+00, v11;
	v10 =	vpop (erf);
	[tilespmem:s0+$0x5140] =	vst v5;
	s0 =	smov.u32 s30;
	s30 =	smov.u32 s28;
	s28 =	smov.u32 s29  }
0x8d: {  	v16 =	vmov v1;
	v2 =	vmul.f32 v13, v2;
	s29 =	smov.u32 s31;
	s31 =	smov.u32 s11;
	v5 =	vld [tilespmem:s11+$0x2910];
	s3 =	spop (v2sf);
	v3 =	vmul.f32 v10, v3  }
0x8e: {  	v11 =	vld [tilespmem:s31+$0x160];
	(xrf2) =	vadd.scan.msk.f32 $0xffff, v4;
	v1 =	vbroadcast v14, $0x0;
	s3 =	smul.f32 $1.250000000e-01, s3;
	(erf) = vpow2.f32 v7;
	s10 =	spop (v2sf)  }
0x8f: {  	v7 =	vld [tilespmem:s31+$0x2920];
	v8, _, _ =	vpop (xrf2);
	s10 =	smul.f32 $1.250000000e-01, s10;
	[tilespmem:s0+$0x5110] =	vst v3  }
0x90: {  	v6 =	vmul.f32 v9, v6;
	v4 =	vld [tilespmem:s31+$0x170];
	(v2sf) =	vpush v8, $0xF;
	(erf) = vpow2.f32 v1;
	[tilespmem:s0+$0x5100] =	vst v2  }
.Ltmp1:
0x91: {  	v1 =	vmov s3;
	v8 =	vld [tilespmem:s31+$0x2930];
	v2 =	vmov s10;
	(pc) =	sbr.rel @p0 .LBB2_5-.Ltmp1, $4  }
0x92: {  	v17 =	vmul.f32 v5, v12;
	(xrf2) =	vadd.scan.msk.f32 $0xffff, v6;
	v3, _, _ =	vpop (xrf2);
	s3 =	spop (v2sf);
	v9 =	vmul.f32 $1.442695020e+00, v2;
	v2 =	vnsel vm0, $0x0, v13  }
0x93: {  	v14 =	vmul.f32 $1.442695020e+00, v1;
	(v2sf) =	vpush v3, $0xF;
	s3 =	smul.f32 $1.250000000e-01, s3;
	v1 =	vld [tilespmem:s30+$0x130];
	v2 =	vsel vm1, v2, v10;
	v5 =	vpop (erf)  }
0x94: {  	v11 =	vmul.f32 v7, v11;
	v3 =	vld [tilespmem:s30+$0x110];
	v7 =	vmul.f32 v5, v15;
	v5 =	vsel vm2, v2, v5;
	v6 =	vpop (erf)  }
0x95: {  	v14 =	vbroadcast v14, $0x0;
	(xrf2) =	vadd.scan.msk.f32 $0xffff, v17;
	v12, _, _ =	vpop (xrf2);
	v13 =	vmov s3;
	s10 =	spop (v2sf);
	v2 =	vld [tilespmem:s30+$0x100];
	v10 =	vmul.f32 v6, v16;
	s3 =	smov.u32 s9  }
0x96: {  	v4 =	vmul.f32 v8, v4  }
0x97: {  	(xrf2) =	vadd.scan.msk.f32 $0xffff, v11  }
0x98: {  	(xrf2) =	vadd.scan.msk.f32 $0xffff, v4;
	_ =	sdelay $0x3  }
0x99: {  	(v2sf) =	vpush v12, $0xF;
	v15, _, _ =	vpop (xrf2)  }
0x9a: {  	v18 =	vmul.f32 $1.442695020e+00, v13;
	v16 =	vpop (erf);
	(v2sf) =	vpush v15, $0xF  }
0x9b: {  	s3 =	smul.f32 $1.250000000e-01, s10;
	v17 =	vbroadcast v9, $0x0;
	s9 =	spop (v2sf);
	v19, _, _ =	vpop (xrf2)  }
0x9c: {  	(erf) = vpow2.f32 v14;
	v22 =	vbroadcast v18, $0x0;
	s11 =	smul.f32 $1.250000000e-01, s9;
	s10 =	spop (v2sf);
	(v2sf) =	vpush v19, $0xF;
	v21, _, _ =	vpop (xrf2)  }
0x9d: {  	v20 =	vmov s3;
	(erf) = vpow2.f32 v17;
	v23 =	vpop (erf);
	s9 =	smul.f32 $1.250000000e-01, s10;
	(v2sf) =	vpush v21, $0xF  }
0x9e: {  	v12 =	vmul.f32 $1.442695020e+00, v20;
	(erf) = vpow2.f32 v22;
	v24 =	vmov s11;
	v25, _, _ =	vpop (xrf2)  }
0x9f: {  	v26 =	vmov s9;
	v11 =	vmul.f32 $1.442695020e+00, v24;
	(v2sf) =	vpush v25, $0xF;
	v27, _, _ =	vpop (xrf2)  }
0xa0: {  	v12 =	vbroadcast v12, $0x0;
	v14 =	vmul.f32 $1.442695020e+00, v26;
	(v2sf) =	vpush v27, $0xF  }
0xa1: {  	v28 =	vld [tilespmem:s30+$0x120];
	[tilespmem:s0+$0x5120] =	vst v7;
	v2 =	vmul.f32 v16, v2;
	s11 =	spop (v2sf);
	v29 =	vbroadcast v11, $0x0  }
0xa2: {  	v5 =	vsel vm3, v5, v6;
	[tilespmem:s0+$0x5130] =	vst v10;
	(erf) = vpow2.f32 v12;
	s3 =	smul.f32 $1.250000000e-01, s11;
	v30 =	vbroadcast v14, $0x0  }
0xa3: {  	[tilespmem:s0+$0x5140] =	vst v5;
	v3 =	vmul.f32 v23, v3;
	s9 =	spop (v2sf);
	(erf) = vpow2.f32 v29  }
0xa4: {  	[tilespmem:s30+$0x5100] =	vst v2;
	v2 =	vmov s3;
	s0 =	smul.f32 $1.250000000e-01, s9;
	(erf) = vpow2.f32 v30  }
0xa5: {  	[tilespmem:s30+$0x5110] =	vst v3;
	v2 =	vmul.f32 $1.442695020e+00, v2  }
0xa6: {  	v3 =	vld [tilespmem:s28+$0x100];
	v31 =	vmov s0  }
0xa7: {  	v32 =	vnsel vm0, $0x0, v16;
	v33 =	vld [tilespmem:s28+$0x110];
	v2 =	vbroadcast v2, $0x0;
	v4 =	vmul.f32 $1.442695020e+00, v31  }
0xa8: {  	v5 =	vsel vm1, v32, v23;
	v35 =	vld [tilespmem:s28+$0x120];
	v34 =	vpop (erf);
	s10 =	spop (v2sf)  }
0xa9: {  	v36 =	vld [tilespmem:s28+$0x130];
	v37 =	vmul.f32 v34, v28;
	v5 =	vsel vm2, v5, v34;
	v38 =	vpop (erf);
	s0 =	smul.f32 $1.250000000e-01, s10;
	v4 =	vbroadcast v4, $0x0;
	s11 =	spop (v2sf)  }
0xaa: {  	v1 =	vmul.f32 v38, v1;
	v5 =	vsel vm3, v5, v38;
	v39 =	vpop (erf);
	(erf) = vpow2.f32 v2;
	s3 =	smul.f32 $1.250000000e-01, s11  }
0xab: {  	[tilespmem:s30+$0x5120] =	vst v37;
	v3 =	vmul.f32 v39, v3;
	v40 =	vmov s0;
	v2 =	vpop (erf);
	(erf) = vpow2.f32 v4;
	s9 =	spop (v2sf)  }
0xac: {  	[tilespmem:s30+$0x5130] =	vst v1;
	v1 =	vmul.f32 v2, v33;
	v4 =	vmul.f32 $1.442695020e+00, v40;
	v41 =	vmov s3;
	v42 =	vpop (erf);
	s0 =	smul.f32 $1.250000000e-01, s9;
	s10 =	spop (v2sf)  }
0xad: {  	[tilespmem:s30+$0x5140] =	vst v5;
	v7 =	vnsel vm0, $0x0, v39;
	v43 =	vmul.f32 $1.442695020e+00, v41;
	v44 =	vmul.f32 v42, v35;
	v45 =	vpop (erf);
	s3 =	smul.f32 $1.250000000e-01, s10  }
0xae: {  	[tilespmem:s28+$0x5110] =	vst v1;
	v4 =	vbroadcast v4, $0x0;
	v9 =	vmul.f32 v45, v36;
	v1 =	vmov s0;
	s11 =	spop (v2sf)  }
0xaf: {  	[tilespmem:s28+$0x5100] =	vst v3;
	v3 =	vbroadcast v43, $0x0;
	v1 =	vmul.f32 $1.442695020e+00, v1;
	s0 =	smul.f32 $1.250000000e-01, s11;
	v46 =	vmov s3;
	s30 =	spop (v2sf)  }
0xb0: {  	v2 =	vsel vm1, v7, v2;
	v49 =	vld [tilespmem:s29+$0x100];
	(erf) = vpow2.f32 v4;
	v48 =	vmul.f32 $1.442695020e+00, v46;
	s3 =	smul.f32 $1.250000000e-01, s30  }
0xb1: {  	v47 =	vld [tilespmem:s29+$0x110];
	(erf) = vpow2.f32 v3;
	v1 =	vbroadcast v1, $0x0;
	v3 =	vmov s0  }
0xb2: {  	v3 =	vmul.f32 $1.442695020e+00, v3;
	v4 =	vbroadcast v48, $0x0;
	v51 =	vmov s3  }
0xb3: {  	v2 =	vsel vm2, v2, v42;
	v50 =	vld [tilespmem:s29+$0x130];
	v53 =	vpop (erf);
	(erf) = vpow2.f32 v1;
	v1 =	vmul.f32 $1.442695020e+00, v51  }
0xb4: {  	v52 =	vld [tilespmem:s29+$0x120];
	v2 =	vsel vm3, v2, v45;
	[tilespmem:s28+$0x5120] =	vst v44;
	v54 =	vpop (erf);
	v3 =	vbroadcast v3, $0x0;
	(erf) = vpow2.f32 v4  }
0xb5: {  	[tilespmem:s28+$0x5140] =	vst v2;
	v2 =	vmul.f32 v53, v49;
	v1 =	vbroadcast v1, $0x0  }
0xb6: {  	[tilespmem:s28+$0x5130] =	vst v9;
	v55 =	vmul.f32 v54, v47;
	(erf) = vpow2.f32 v3  }
0xb7: {  	[tilespmem:s29+$0x5100] =	vst v2;
	(erf) = vpow2.f32 v1  }
0xb8: {  	[tilespmem:s29+$0x5110] =	vst v55  }
0xb9: {  	v1 =	vld [tilespmem:s31+$0x110]  }
0xba: {  	v57 =	vnsel vm0, $0x0, v53;
	v2 =	vpop (erf);
	v3 =	vld [tilespmem:s31+$0x100]  }
0xbb: {  	v5 =	vsel vm1, v57, v54;
	v58 =	vld [tilespmem:s31+$0x120];
	v7 =	vmul.f32 v2, v52;
	v56 =	vpop (erf)  }
0xbc: {  	v9 =	vld [tilespmem:s31+$0x130];
	v2 =	vsel vm2, v5, v2;
	v60 =	vpop (erf)  }
0xbd: {  	v59 =	vmul.f32 v56, v50;
	[tilespmem:s29+$0x5120] =	vst v7;
	v2 =	vsel vm3, v2, v56;
	v61 =	vpop (erf)  }
0xbe: {  	[tilespmem:s29+$0x5140] =	vst v2;
	v1 =	vmul.f32 v61, v1  }
0xbf: {  	[tilespmem:s29+$0x5130] =	vst v59;
	v2 =	vmul.f32 v60, v3;
	v3 =	vpop (erf)  }
0xc0: {  	v62 =	vmul.f32 v3, v58;
	[tilespmem:s31+$0x5110] =	vst v1;
	v1 =	vnsel vm0, $0x0, v60;
	v63 =	vpop (erf)  }
0xc1: {  	[tilespmem:s31+$0x5100] =	vst v2;
	v1 =	vsel vm1, v1, v61;
	v2 =	vmul.f32 v63, v9  }
0xc2: {  	s26 =	sadd.s32 $0x1, s26;
	[tilespmem:s31+$0x5120] =	vst v62;
	v1 =	vsel vm2, v1, v3  }
0xc3: {  	p0 =	sne.s32 s26, $0x7D;
	v1 =	vsel vm3, v1, v63;
	[tilespmem:s31+$0x5130] =	vst v2  }
.Ltmp2:
0xc4: {  	[tilespmem:s31+$0x5140] =	vst v1;
	(pc) =	sbr.rel @p0 .LBB2_4-.Ltmp2, $4  }
0xc5: {  	[spmem:s2] =	stream.indirect.scatter.add.f32 [tilespmem:s24], [sflag:$0x3], $0x80, s18, s21, $0xb8;
	[tilespmem:$0x1F900] =	vst v63  }
0xc6: {  	_ =	swait.ge [sflag:s17], $0x2800  }
0xc7: {  	[sflag:s17] =	ssyncset.done $0x0  }
0xc8: {  	[sflag:s17] =	ssyncadd.s32 $0xFFFFD800  }
0xc9: {  	s0 =	stileid.u32;
	s4 =	sadd.s32 $0x1, s4  }
0xca: {  	[bflag:$0x0] =	sbarrier.arrive $0xFFFF;
	s0 =	sshll.u32 s0, $0x6;
	p0 =	sne.s32 s4, s15  }
.Ltmp3:
0xcb: {  	s3 =	sshrl.u32 s8, $0x3;
	s0 =	sor.u32 $0x1C03, s0;
	(pc) =	sbr.rel @p0 .LBB2_1-.Ltmp3, $4  }
0xcc: {  	[hbm:s14], [sflag:s0] =	dma.local [spmem:s3], $0x2800  }
0xcd: {  	_ =	swait.ge [sflag:s17], $0x2800  }
0xce: {  	[sflag:s17] =	ssyncset.done $0x0  }
0xcf: {  	[sflag:s17] =	ssyncadd.s32 $0xFFFFD800  }
0xd0: {  	_ =	sfence.sel $0x180000  }
0xd1: {  	[bflag:$0x0] =	sbarrier.arrive $0xFFFF  }
0xd2: {  	_ =	strace $0x90000047  }
0xd3: {  	s0 =	stileid.u32;
	[bflag:$0x2] =	sbarrier.arrive $0xFFFF  }
0xd4: {  	p0 =	sne.s32 s0, $0x0;
	s0 =	rddreg [dreg:$0x3]  }
0xd5: {  	s0 =	sadd.s32 @!p0 $0x100000, s0  }
0xd6: {  	[sflag:s0] =	ssyncadd.tile.s32 @!p0 $0x1;
	_ =	shalt  }
.Lfunc_end2:
_tile_overlayer_lowered:
.L_overlay_start_2:
0xd7: {  	(tag) =	ssettag $0x2  }
0xd8: {  	s0 =	rddreg [dreg:$0x0];
	s2 =	stileid.u32  }
0xd9: {  	s1 =	rddreg [dreg:$0x1];
	p0 =	sne.s32 s2, $0x0  }
0xda: {  	s3 =	rddreg [dreg:$0x2];
	[bflag:$0x3] =	sbarrier.arrive $0xFFFF;
	s2 =	simm.s32 @!p0 $0x1C03  }
0xdb: {  	[timem:s3], [sflag:s2] =	dma.local @!p0 [hbm:s0], s1  }
0xdc: {  	s0 =	simm.s32 @!p0 $0x3  }
0xdd: {  	_ =	swait.ge @!p0 [sflag:s0], s1  }
0xde: {  	s1 =	ssub.s32 @!p0 $0x0, s1;
	[sflag:s0] =	ssyncset.done @!p0 $0x0  }
0xdf: {  	[sflag:s0] =	ssyncadd.s32 @!p0 s1  }
0xe0: {  	[bflag:$0x3] =	sbarrier.arrive $0xFFFF  }
0xe1: {  	_ =	shalt  }

</sc_bundles>
